<compile_context>
chip_gen: v7x
topology: tpu7x:2x2x1
jax: 0.10.2.dev20260603
libtpu: 0.0.44.dev20260713+nightly
codegen_flags: <defaults>
</compile_context>

<pallas_src>
import functools

import numpy as np
import jax
import jax.numpy as jnp
from jax import lax
from jax.experimental import pallas as pl
from jax.experimental.pallas import tpu as pltpu
from jax.experimental.pallas import tpu_sc as plsc

N_NODES = 10000
E_EDGES = 320000
MUL = 8
ALPHA = 1.0 / np.sqrt(MUL)



def _build_consts():
    rx2 = np.zeros((16, 128), np.float32)
    s2 = np.zeros((128, 16), np.float32)
    for i in range(MUL):
        for k in range(MUL):
            rx2[i, 8 * i + k] = 1.0
            rx2[i, 64 + 8 * i + k] = 1.0
            s2[8 * i + k, k] = 1.0
            s2[64 + 8 * i + k, 8 + k] = 1.0
    rs = np.zeros((16, 64), np.float32)
    ts = np.zeros((4, 64), np.float32)
    for k in range(16):
        for m in range(4):
            rs[k, 4 * k + m] = 1.0
            ts[m, 4 * k + m] = 1.0
    p = np.zeros((64, 48), np.float32)
    for j in range(MUL):
        p[4 * j + 0, j] = ALPHA
    for k in range(MUL):
        for m in range(3):
            p[4 * (8 + k) + 1 + m, 8 + 3 * k + m] = ALPHA
    c = np.zeros((1, 48), np.float32)
    c[0, 32] = 1.0
    return rx2, s2 @ rs, ts, p, c


_RX2, _S2RS, _TS, _P, _C = _build_consts()

_BLK_E = 3200


def _tp_body(ea_ref, x_ref, sh_ref, w1_ref, b1_ref, w2_ref, b2_ref,
             rx_ref, s2rs_ref, ts_ref, p_ref, c_ref, out_ref):
    f32 = jnp.float32
    bf16 = jnp.bfloat16
    ea = ea_ref[...]
    h = jnp.dot(ea.astype(bf16), w1_ref[...].astype(bf16),
                preferred_element_type=f32) + b1_ref[...]
    h = jnp.log(1.0 + jnp.exp(h))
    w = jnp.dot(h.astype(bf16), w2_ref[...].astype(bf16),
                preferred_element_type=f32) + b2_ref[...]
    dn = (((0,), (0,)), ((), ()))
    xr = lax.dot_general(x_ref[...], rx_ref[...], dn,
                         preferred_element_type=f32)
    o = (jnp.dot((w * xr).astype(bf16), s2rs_ref[...].astype(bf16),
                 preferred_element_type=f32)
         * lax.dot_general(sh_ref[...], ts_ref[...], dn,
                           preferred_element_type=f32))
    out_ref[...] = jnp.dot(o.astype(bf16), p_ref[...].astype(bf16),
                           preferred_element_type=f32) + c_ref[...]


def _tp_payload(edge_attr, x16, edge_sh, fc_w1, fc_b1, fc_w2, fc_b2):
    nblk = E_EDGES // _BLK_E
    blk = lambda i: (i, 0)
    const = lambda i: (0, 0)
    return pl.pallas_call(
        _tp_body,
        grid=(nblk,),
        in_specs=[
            pl.BlockSpec((_BLK_E, 64), blk),
            pl.BlockSpec((16, _BLK_E), lambda i: (0, i)),
            pl.BlockSpec((4, _BLK_E), lambda i: (0, i)),
            pl.BlockSpec((64, 64), const),
            pl.BlockSpec((1, 64), const),
            pl.BlockSpec((64, 128), const),
            pl.BlockSpec((1, 128), const),
            pl.BlockSpec((16, 128), const),
            pl.BlockSpec((128, 64), const),
            pl.BlockSpec((4, 64), const),
            pl.BlockSpec((64, 48), const),
            pl.BlockSpec((1, 48), const),
        ],
        out_specs=pl.BlockSpec((_BLK_E, 48), blk),
        out_shape=jax.ShapeDtypeStruct((E_EDGES, 48), jnp.float32),
    )(edge_attr, x16, edge_sh, fc_w1, fc_b1.reshape(1, 64), fc_w2,
      fc_b2.reshape(1, 128), _RX2,
      _S2RS.astype(np.float32), _TS, _P, _C)


_NC, _NS = 2, 16
_NW = _NC * _NS
_CHUNK = 80
_DEPTH = 4
_EPW = E_EDGES // _NW
_NCHUNK = _EPW // _CHUNK
_NGRP = _NCHUNK // _DEPTH
_NPAD = 10240
_RPS = _NPAD // _NS


def _sc_gather(table16, dst3d):
    mesh = plsc.VectorSubcoreMesh(core_axis_name="c", subcore_axis_name="s")

    @functools.partial(
        pl.kernel,
        out_type=jax.ShapeDtypeStruct((E_EDGES, 16), jnp.float32),
        mesh=mesh,
        scratch_types=[
            pltpu.VMEM((_NCHUNK, _CHUNK), jnp.int32),
            pltpu.VMEM((_DEPTH, _CHUNK, 16), jnp.float32),
            [pltpu.SemaphoreType.DMA] * _DEPTH,
        ],
        compiler_params=pltpu.CompilerParams(use_tc_tiling_on_sc=False),
    )
    def gather_kernel(table_ref, idx_ref, x_ref, idx_v, rows_v, sems):
        wid = lax.axis_index("s") * _NC + lax.axis_index("c")
        pltpu.sync_copy(idx_ref.at[wid], idx_v)

        def do_chunk(j, slot):
            return pltpu.async_copy(
                table_ref.at[idx_v.at[j]], rows_v.at[slot], sems[slot])

        def body(g, carry):
            j0 = g * _DEPTH
            handles = [do_chunk(j0 + k, k) for k in range(_DEPTH)]
            for k in range(_DEPTH):
                handles[k].wait()
                row = pl.multiple_of(wid * _EPW + (j0 + k) * _CHUNK, 8)
                pltpu.sync_copy(rows_v.at[k], x_ref.at[pl.ds(row, _CHUNK)])
            return carry

        lax.fori_loop(0, _NGRP, body, 0)
        j = _NGRP * _DEPTH
        while j < _NCHUNK:
            do_chunk(j, 0).wait()
            row = pl.multiple_of(wid * _EPW + j * _CHUNK, 8)
            pltpu.sync_copy(rows_v.at[0], x_ref.at[pl.ds(row, _CHUNK)])
            j += 1

    return gather_kernel(table16, dst3d)


def _sc_scatter(payload, src3d, zeros_blk):
    mesh = plsc.VectorSubcoreMesh(core_axis_name="c", subcore_axis_name="s")

    @functools.partial(
        pl.kernel,
        out_type=jax.ShapeDtypeStruct((_NC, _NPAD, 48), jnp.float32),
        mesh=mesh,
        scratch_types=[
            pltpu.VMEM((_NCHUNK, _CHUNK), jnp.int32),
            pltpu.VMEM((_DEPTH, _CHUNK, 48), jnp.float32),
            pltpu.MemorySpace.VMEM_SHARED((_NPAD, 48), jnp.float32),
            [pltpu.SemaphoreType.DMA] * _DEPTH,
            [pltpu.SemaphoreType.DMA] * _DEPTH,
        ],
        compiler_params=pltpu.CompilerParams(use_tc_tiling_on_sc=False),
    )
    def scatter_kernel(tp_ref, idx_ref, z_ref, out_ref,
                       idx_v, tp_v, acc, lsems, ssems):
        cid = lax.axis_index("c")
        sid = lax.axis_index("s")
        wid = sid * _NC + cid
        arow = pl.multiple_of(sid * _RPS, 8)
        pltpu.sync_copy(z_ref, acc.at[pl.ds(arow, _RPS)])
        plsc.subcore_barrier()
        pltpu.sync_copy(idx_ref.at[wid], idx_v)

        def load_chunk(j, slot):
            row = pl.multiple_of(wid * _EPW + j * _CHUNK, 8)
            return pltpu.async_copy(
                tp_ref.at[pl.ds(row, _CHUNK)], tp_v.at[slot], lsems[slot])

        def body(g, carry):
            j0 = g * _DEPTH
            loads = [load_chunk(j0 + k, k) for k in range(_DEPTH)]
            adds = []
            for k in range(_DEPTH):
                loads[k].wait()
                adds.append(pltpu.async_copy(
                    tp_v.at[k], acc.at[idx_v.at[j0 + k]], ssems[k], add=True))
            for k in range(_DEPTH):
                adds[k].wait()
            return carry

        lax.fori_loop(0, _NGRP, body, 0)
        j = _NGRP * _DEPTH
        while j < _NCHUNK:
            load_chunk(j, 0).wait()
            pltpu.sync_copy(tp_v.at[0], acc.at[idx_v.at[j]], add=True)
            j += 1
        plsc.subcore_barrier()
        pltpu.sync_copy(acc.at[pl.ds(arow, _RPS)],
                        out_ref.at[cid, pl.ds(arow, _RPS)])

    return scatter_kernel(payload, src3d, zeros_blk)


def _combine(partials, node_attr):
    def body(p_ref, na_ref, o_ref):
        s = p_ref[0] + p_ref[1]
        cnt = jnp.maximum(s[:, 32:33], 1.0)
        res = jnp.concatenate(
            [na_ref[...], jnp.zeros((na_ref.shape[0], 24), jnp.float32)],
            axis=1)
        o_ref[...] = s[:, :32] / cnt + res

    blk_n = 1000
    return pl.pallas_call(
        body,
        grid=(N_NODES // blk_n,),
        in_specs=[
            pl.BlockSpec((_NC, blk_n, 48), lambda i: (0, i, 0)),
            pl.BlockSpec((blk_n, 8), lambda i: (i, 0)),
        ],
        out_specs=pl.BlockSpec((blk_n, 32), lambda i: (i, 0)),
        out_shape=jax.ShapeDtypeStruct((N_NODES, 32), jnp.float32),
    )(partials, node_attr)


def kernel(node_attr, edge_index, edge_attr, edge_sh, fc_w1, fc_b1, fc_w2, fc_b2):
    edge_dst = edge_index[1]
    edge_src = edge_index[0]
    dst3d = edge_dst.reshape(_NW, _NCHUNK, _CHUNK)
    src3d = edge_src.reshape(_NW, _NCHUNK, _CHUNK)
    table16 = jnp.pad(node_attr, ((0, 0), (0, 16 - MUL)))
    x16 = _sc_gather(table16, dst3d)
    payload = _tp_payload(edge_attr, x16.T, edge_sh.T,
                          fc_w1, fc_b1, fc_w2, fc_b2)
    zeros_blk = jnp.zeros((_RPS, 48), jnp.float32)
    partials = _sc_scatter(payload, src3d, zeros_blk)
    return _combine(partials, node_attr)

# --- scband reference (transcript-rebuilt; emitter-appended) ---
"""Pipeline reference for scband-tensor-product-conv-layer-18726057411380 (READ-ONLY COPY).

The authoritative reference and input builder live on the scoring server;
editing this copy changes nothing except your own understanding.
"""

import jax, jax.numpy as jnp
import numpy as np

N_NODES = 10000
E_EDGES = 320000
MUL_IN = 8
MUL_OUT = 8
N_EDGE_FEAT = 64
W_NUMEL = MUL_IN * MUL_OUT * 2  # two paths: 0e x 0e -> 0e and 0e x 1o -> 1o


def setup_inputs(seed: int = 0) -> dict:
    key = jax.random.key(seed)
    ks = jax.random.split(key, 9)
    node_attr = jax.random.normal(ks[0], (N_NODES, MUL_IN), dtype=jnp.float32)
    edge_index = jax.random.randint(ks[1], (2, E_EDGES), 0, N_NODES, dtype=jnp.int32)
    edge_attr = jax.random.normal(ks[2], (E_EDGES, N_EDGE_FEAT), dtype=jnp.float32)
    edge_sh = jax.random.normal(ks[3], (E_EDGES, 4), dtype=jnp.float32)
    # fc: Linear(64,64) -> Softplus -> Linear(64, weight_numel)
    fc_w1 = jax.random.normal(ks[4], (N_EDGE_FEAT, N_EDGE_FEAT), dtype=jnp.float32) / np.sqrt(N_EDGE_FEAT)
    fc_b1 = jnp.zeros((N_EDGE_FEAT,), dtype=jnp.float32)
    fc_w2 = jax.random.normal(ks[5], (N_EDGE_FEAT, W_NUMEL), dtype=jnp.float32) / np.sqrt(N_EDGE_FEAT)
    fc_b2 = jnp.zeros((W_NUMEL,), dtype=jnp.float32)
    return {
        "node_attr": node_attr,
        "edge_index": edge_index,
        "edge_attr": edge_attr,
        "edge_sh": edge_sh,
        "fc_w1": fc_w1,
        "fc_b1": fc_b1,
        "fc_w2": fc_w2,
        "fc_b2": fc_b2,
    }


def reference(node_attr, edge_index, edge_attr, edge_sh, fc_w1, fc_b1, fc_w2, fc_b2):
    edge_src = edge_index[0]
    edge_dst = edge_index[1]
    # fc produces per-edge tensor-product weights
    h = jax.nn.softplus(edge_attr @ fc_w1 + fc_b1)
    w = h @ fc_w2 + fc_b2  # [E, 128]
    w_0e = w[:, : MUL_IN * MUL_OUT].reshape(-1, MUL_IN, MUL_OUT)
    w_1o = w[:, MUL_IN * MUL_OUT :].reshape(-1, MUL_IN, MUL_OUT)
    # gather destination node features (all scalars: 8x0e)
    x = jnp.take(node_attr, edge_dst, axis=0)  # [E, 8]
    # FullyConnectedTensorProduct for irreps 8x0e x (1x0e+1x1o) -> 8x0e+8x1o
    alpha = 1.0 / jnp.sqrt(jnp.asarray(MUL_IN, dtype=jnp.float32))  # path normalization
    sh0 = edge_sh[:, 0]      # 1x0e component
    sh1 = edge_sh[:, 1:4]    # 1x1o components
    out_0e = alpha * jnp.einsum('eik,ei,e->ek', w_0e, x, sh0)           # [E, 8]
    out_1o = alpha * jnp.einsum('eik,ei,em->ekm', w_1o, x, sh1)         # [E, 8, 3]
    tp = jnp.concatenate([out_0e, out_1o.reshape(-1, MUL_OUT * 3)], axis=-1)  # [E, 32]
    # scatter-mean over edge_src with dim_size = N_NODES
    ones = jnp.ones((tp.shape[0],), dtype=tp.dtype)
    counts = jax.ops.segment_sum(ones, edge_src, num_segments=N_NODES)
    summed = jax.ops.segment_sum(tp, edge_src, num_segments=N_NODES)
    out = summed / jnp.maximum(counts, 1.0)[:, None]
    # residual: zero-pad node_attr to out width and add
    pad = out.shape[-1] - node_attr.shape[-1]
    padded = jnp.pad(node_attr, ((0, 0), (0, pad)))
    return out + padded

if __name__ == "__main__":
    import jax
    _d = setup_inputs()
    print(jax.jit(kernel)(*tuple(_d.values())))

</pallas_src>

<mosaic_0001>
#map = affine_map<(d0, d1) -> (0, 0)>
#map1 = affine_map<(d0, d1) -> (0, 0, 0)>
module attributes {stable_mosaic.version = 14 : i64} {
  func.func @gather_kernel(%arg0: i32, %arg1: i32, %arg2: memref<10000x16xf32, #tpu.memory_space<hbm>>, %arg3: memref<32x125x80xi32, #tpu.memory_space<hbm>>, %arg4: memref<320000x16xf32, #tpu.memory_space<hbm>>, %arg5: memref<125x80xi32, #tpu.memory_space<vmem>>, %arg6: memref<4x80x16xf32, #tpu.memory_space<vmem>>, %arg7: memref<!tpu.dma_semaphore, #tpu.memory_space<semaphore_mem>>, %arg8: memref<!tpu.dma_semaphore, #tpu.memory_space<semaphore_mem>>, %arg9: memref<!tpu.dma_semaphore, #tpu.memory_space<semaphore_mem>>, %arg10: memref<!tpu.dma_semaphore, #tpu.memory_space<semaphore_mem>>) attributes {dimension_semantics = [#tpu.dimension_semantics<core_parallel>, #tpu.dimension_semantics<subcore_parallel>], iteration_bounds = array<i64: 2, 16>, scalar_prefetch = 0 : i64, scratch_operands = 6 : i64, tpu.core_type = #tpu.core_type<sc_vector_subcore>, window_params = [{transform_indices = #map}, {transform_indices = #map1}, {transform_indices = #map}]} {
    %mul3A = arith.constant 2 : i32
    %mul3A_0 = arith.muli %arg1, %mul3A : i32
    %add3A = arith.addi %mul3A_0, %arg0 : i32
    "tpu.region"() ({
      %run_scoped3A_32 = tpu.sem_alloc : memref<!tpu.dma_semaphore, #tpu.memory_space<semaphore_mem>>
      %dma_start3A_33 = arith.constant 0 : i32
      %dma_start3A_34 = arith.constant 0 : i32
      %dma_start3A_35 = tpu.memref_slice %arg3[%add3A, %dma_start3A_33, %dma_start3A_34] : memref<32x125x80xi32, #tpu.memory_space<hbm>> -> memref<1x125x80xi32, #tpu.memory_space<hbm>>
      %dma_start3A_36 = tpu.memref_squeeze %dma_start3A_35 : memref<1x125x80xi32, #tpu.memory_space<hbm>> -> memref<125x80xi32, #tpu.memory_space<hbm>>
      %dma_start3A_37 = arith.constant 0 : i32
      %dma_start3A_38 = arith.constant 0 : i32
      %dma_start3A_39 = tpu.memref_slice %arg3[%add3A, %dma_start3A_37, %dma_start3A_38] : memref<32x125x80xi32, #tpu.memory_space<hbm>> -> memref<1x125x80xi32, #tpu.memory_space<hbm>>
      %dma_start3A_40 = tpu.memref_squeeze %dma_start3A_39 : memref<1x125x80xi32, #tpu.memory_space<hbm>> -> memref<125x80xi32, #tpu.memory_space<hbm>>
      tpu.enqueue_dma source(%dma_start3A_40 : memref<125x80xi32, #tpu.memory_space<hbm>>) target(%arg5 : memref<125x80xi32, #tpu.memory_space<vmem>>) target_semaphore(%run_scoped3A_32 : memref<!tpu.dma_semaphore, #tpu.memory_space<semaphore_mem>>)
      %dma_wait3A_41 = arith.constant 0 : i32
      %dma_wait3A_42 = arith.constant 0 : i32
      %dma_wait3A_43 = tpu.memref_slice %arg3[%add3A, %dma_wait3A_41, %dma_wait3A_42] : memref<32x125x80xi32, #tpu.memory_space<hbm>> -> memref<1x125x80xi32, #tpu.memory_space<hbm>>
      %dma_wait3A_44 = tpu.memref_squeeze %dma_wait3A_43 : memref<1x125x80xi32, #tpu.memory_space<hbm>> -> memref<125x80xi32, #tpu.memory_space<hbm>>
      %dma_wait3A_45 = arith.constant 0 : i32
      %dma_wait3A_46 = arith.constant 0 : i32
      %dma_wait3A_47 = tpu.memref_slice %arg3[%add3A, %dma_wait3A_45, %dma_wait3A_46] : memref<32x125x80xi32, #tpu.memory_space<hbm>> -> memref<1x125x80xi32, #tpu.memory_space<hbm>>
      %dma_wait3A_48 = tpu.memref_squeeze %dma_wait3A_47 : memref<1x125x80xi32, #tpu.memory_space<hbm>> -> memref<125x80xi32, #tpu.memory_space<hbm>>
      tpu.wait_dma2 semaphore(%run_scoped3A_32 : memref<!tpu.dma_semaphore, #tpu.memory_space<semaphore_mem>>) src(%dma_wait3A_48 : memref<125x80xi32, #tpu.memory_space<hbm>>) dst(%arg5 : memref<125x80xi32, #tpu.memory_space<vmem>>)
      tpu.yield
    }) : () -> ()
    %scan3A = arith.constant 0 : i32
    %scan3A_1 = arith.constant 0 : i32
    %scan3A_2 = arith.constant 31 : i32
    %scan3A_3 = arith.addi %scan3A_1, %scan3A_2 : i32
    %scan3A_4 = arith.constant 1 : i32
    scf.for %scan3A_32 = %scan3A_1 to %scan3A_3 step %scan3A_4  : i32 {
      %mul3A_33 = arith.constant 4 : i32
      %mul3A_34 = arith.muli %scan3A_32, %mul3A_33 : i32
      %add3A_35 = arith.constant 0 : i32
      %add3A_36 = arith.addi %mul3A_34, %add3A_35 : i32
      %dma_start3A_37 = arith.constant 0 : i32
      %dma_start3A_38 = arith.constant 0 : i32
      %dma_start3A_39 = arith.constant 0 : i32
      %dma_start3A_40 = tpu.memref_slice %arg6[%dma_start3A_37, %dma_start3A_38, %dma_start3A_39] : memref<4x80x16xf32, #tpu.memory_space<vmem>> -> memref<1x80x16xf32, #tpu.memory_space<vmem>>
      %dma_start3A_41 = tpu.memref_squeeze %dma_start3A_40 : memref<1x80x16xf32, #tpu.memory_space<vmem>> -> memref<80x16xf32, #tpu.memory_space<vmem>>
      %dma_start3A_42 = arith.constant 0 : i32
      %dma_start3A_43 = tpu.memref_slice %arg5[%add3A_36, %dma_start3A_42] : memref<125x80xi32, #tpu.memory_space<vmem>> -> memref<1x80xi32, #tpu.memory_space<vmem>>
      %dma_start3A_44 = tpu.memref_squeeze %dma_start3A_43 : memref<1x80xi32, #tpu.memory_space<vmem>> -> memref<80xi32, #tpu.memory_space<vmem>>
      %dma_start3A_45 = arith.constant 0 : i32
      %dma_start3A_46 = arith.constant 0 : i32
      %dma_start3A_47 = tpu.memref_slice %arg2[%dma_start3A_45, %dma_start3A_46] : memref<10000x16xf32, #tpu.memory_space<hbm>> -> memref<10000x16xf32, #tpu.memory_space<hbm>>
      tpu.enqueue_indirect_dma source(%dma_start3A_47 : memref<10000x16xf32, #tpu.memory_space<hbm>>) target(%dma_start3A_41 : memref<80x16xf32, #tpu.memory_space<vmem>>) offsets(%dma_start3A_44 : memref<80xi32, #tpu.memory_space<vmem>>) semaphore(%arg7 : memref<!tpu.dma_semaphore, #tpu.memory_space<semaphore_mem>>)
      %add3A_48 = arith.constant 1 : i32
      %add3A_49 = arith.addi %mul3A_34, %add3A_48 : i32
      %dma_start3A_50 = arith.constant 1 : i32
      %dma_start3A_51 = arith.constant 0 : i32
      %dma_start3A_52 = arith.constant 0 : i32
      %dma_start3A_53 = tpu.memref_slice %arg6[%dma_start3A_50, %dma_start3A_51, %dma_start3A_52] : memref<4x80x16xf32, #tpu.memory_space<vmem>> -> memref<1x80x16xf32, #tpu.memory_space<vmem>>
      %dma_start3A_54 = tpu.memref_squeeze %dma_start3A_53 : memref<1x80x16xf32, #tpu.memory_space<vmem>> -> memref<80x16xf32, #tpu.memory_space<vmem>>
      %dma_start3A_55 = arith.constant 0 : i32
      %dma_start3A_56 = tpu.memref_slice %arg5[%add3A_49, %dma_start3A_55] : memref<125x80xi32, #tpu.memory_space<vmem>> -> memref<1x80xi32, #tpu.memory_space<vmem>>
      %dma_start3A_57 = tpu.memref_squeeze %dma_start3A_56 : memref<1x80xi32, #tpu.memory_space<vmem>> -> memref<80xi32, #tpu.memory_space<vmem>>
      %dma_start3A_58 = arith.constant 0 : i32
      %dma_start3A_59 = arith.constant 0 : i32
      %dma_start3A_60 = tpu.memref_slice %arg2[%dma_start3A_58, %dma_start3A_59] : memref<10000x16xf32, #tpu.memory_space<hbm>> -> memref<10000x16xf32, #tpu.memory_space<hbm>>
      tpu.enqueue_indirect_dma source(%dma_start3A_60 : memref<10000x16xf32, #tpu.memory_space<hbm>>) target(%dma_start3A_54 : memref<80x16xf32, #tpu.memory_space<vmem>>) offsets(%dma_start3A_57 : memref<80xi32, #tpu.memory_space<vmem>>) semaphore(%arg8 : memref<!tpu.dma_semaphore, #tpu.memory_space<semaphore_mem>>)
      %add3A_61 = arith.constant 2 : i32
      %add3A_62 = arith.addi %mul3A_34, %add3A_61 : i32
      %dma_start3A_63 = arith.constant 2 : i32
      %dma_start3A_64 = arith.constant 0 : i32
      %dma_start3A_65 = arith.constant 0 : i32
      %dma_start3A_66 = tpu.memref_slice %arg6[%dma_start3A_63, %dma_start3A_64, %dma_start3A_65] : memref<4x80x16xf32, #tpu.memory_space<vmem>> -> memref<1x80x16xf32, #tpu.memory_space<vmem>>
      %dma_start3A_67 = tpu.memref_squeeze %dma_start3A_66 : memref<1x80x16xf32, #tpu.memory_space<vmem>> -> memref<80x16xf32, #tpu.memory_space<vmem>>
      %dma_start3A_68 = arith.constant 0 : i32
      %dma_start3A_69 = tpu.memref_slice %arg5[%add3A_62, %dma_start3A_68] : memref<125x80xi32, #tpu.memory_space<vmem>> -> memref<1x80xi32, #tpu.memory_space<vmem>>
      %dma_start3A_70 = tpu.memref_squeeze %dma_start3A_69 : memref<1x80xi32, #tpu.memory_space<vmem>> -> memref<80xi32, #tpu.memory_space<vmem>>
      %dma_start3A_71 = arith.constant 0 : i32
      %dma_start3A_72 = arith.constant 0 : i32
      %dma_start3A_73 = tpu.memref_slice %arg2[%dma_start3A_71, %dma_start3A_72] : memref<10000x16xf32, #tpu.memory_space<hbm>> -> memref<10000x16xf32, #tpu.memory_space<hbm>>
      tpu.enqueue_indirect_dma source(%dma_start3A_73 : memref<10000x16xf32, #tpu.memory_space<hbm>>) target(%dma_start3A_67 : memref<80x16xf32, #tpu.memory_space<vmem>>) offsets(%dma_start3A_70 : memref<80xi32, #tpu.memory_space<vmem>>) semaphore(%arg9 : memref<!tpu.dma_semaphore, #tpu.memory_space<semaphore_mem>>)
      %add3A_74 = arith.constant 3 : i32
      %add3A_75 = arith.addi %mul3A_34, %add3A_74 : i32
      %dma_start3A_76 = arith.constant 3 : i32
      %dma_start3A_77 = arith.constant 0 : i32
      %dma_start3A_78 = arith.constant 0 : i32
      %dma_start3A_79 = tpu.memref_slice %arg6[%dma_start3A_76, %dma_start3A_77, %dma_start3A_78] : memref<4x80x16xf32, #tpu.memory_space<vmem>> -> memref<1x80x16xf32, #tpu.memory_space<vmem>>
      %dma_start3A_80 = tpu.memref_squeeze %dma_start3A_79 : memref<1x80x16xf32, #tpu.memory_space<vmem>> -> memref<80x16xf32, #tpu.memory_space<vmem>>
      %dma_start3A_81 = arith.constant 0 : i32
      %dma_start3A_82 = tpu.memref_slice %arg5[%add3A_75, %dma_start3A_81] : memref<125x80xi32, #tpu.memory_space<vmem>> -> memref<1x80xi32, #tpu.memory_space<vmem>>
      %dma_start3A_83 = tpu.memref_squeeze %dma_start3A_82 : memref<1x80xi32, #tpu.memory_space<vmem>> -> memref<80xi32, #tpu.memory_space<vmem>>
      %dma_start3A_84 = arith.constant 0 : i32
      %dma_start3A_85 = arith.constant 0 : i32
      %dma_start3A_86 = tpu.memref_slice %arg2[%dma_start3A_84, %dma_start3A_85] : memref<10000x16xf32, #tpu.memory_space<hbm>> -> memref<10000x16xf32, #tpu.memory_space<hbm>>
      tpu.enqueue_indirect_dma source(%dma_start3A_86 : memref<10000x16xf32, #tpu.memory_space<hbm>>) target(%dma_start3A_80 : memref<80x16xf32, #tpu.memory_space<vmem>>) offsets(%dma_start3A_83 : memref<80xi32, #tpu.memory_space<vmem>>) semaphore(%arg10 : memref<!tpu.dma_semaphore, #tpu.memory_space<semaphore_mem>>)
      %dma_wait3A_87 = arith.constant 0 : i32
      %dma_wait3A_88 = arith.constant 0 : i32
      %dma_wait3A_89 = arith.constant 0 : i32
      %dma_wait3A_90 = tpu.memref_slice %arg6[%dma_wait3A_87, %dma_wait3A_88, %dma_wait3A_89] : memref<4x80x16xf32, #tpu.memory_space<vmem>> -> memref<1x80x16xf32, #tpu.memory_space<vmem>>
      %dma_wait3A_91 = tpu.memref_squeeze %dma_wait3A_90 : memref<1x80x16xf32, #tpu.memory_space<vmem>> -> memref<80x16xf32, #tpu.memory_space<vmem>>
      %dma_wait3A_92 = arith.constant 0 : i32
      %dma_wait3A_93 = tpu.memref_slice %arg5[%add3A_36, %dma_wait3A_92] : memref<125x80xi32, #tpu.memory_space<vmem>> -> memref<1x80xi32, #tpu.memory_space<vmem>>
      %dma_wait3A_94 = tpu.memref_squeeze %dma_wait3A_93 : memref<1x80xi32, #tpu.memory_space<vmem>> -> memref<80xi32, #tpu.memory_space<vmem>>
      %dma_wait3A_95 = arith.constant 0 : i32
      %dma_wait3A_96 = arith.constant 0 : i32
      %dma_wait3A_97 = tpu.memref_slice %arg2[%dma_wait3A_95, %dma_wait3A_96] : memref<10000x16xf32, #tpu.memory_space<hbm>> -> memref<10000x16xf32, #tpu.memory_space<hbm>>
      tpu.wait_indirect_dma semaphore(%arg7 : memref<!tpu.dma_semaphore, #tpu.memory_space<semaphore_mem>>) src(%dma_wait3A_97 : memref<10000x16xf32, #tpu.memory_space<hbm>>) dst(%dma_wait3A_91 : memref<80x16xf32, #tpu.memory_space<vmem>>)
      %mul3A_98 = arith.constant 10000 : i32
      %mul3A_99 = arith.muli %add3A, %mul3A_98 : i32
      %add3A_100 = arith.constant 0 : i32
      %add3A_101 = arith.addi %mul3A_34, %add3A_100 : i32
      %mul3A_102 = arith.constant 80 : i32
      %mul3A_103 = arith.muli %add3A_101, %mul3A_102 : i32
      %add3A_104 = arith.addi %mul3A_99, %mul3A_103 : i32
      %multiple_of3A_105 = tpu.assume_multiple %add3A_104, 8 : i32
      %run_scoped3A_106 = arith.constant 0 : i32
      "tpu.region"() ({
        %run_scoped3A_167 = tpu.sem_alloc : memref<!tpu.dma_semaphore, #tpu.memory_space<semaphore_mem>>
        %dma_start3A_168 = arith.constant 0 : i32
        %dma_start3A_169 = arith.constant 0 : i32
        %dma_start3A_170 = tpu.memref_slice %arg6[%run_scoped3A_106, %dma_start3A_168, %dma_start3A_169] : memref<4x80x16xf32, #tpu.memory_space<vmem>> -> memref<1x80x16xf32, #tpu.memory_space<vmem>>
        %dma_start3A_171 = tpu.memref_squeeze %dma_start3A_170 : memref<1x80x16xf32, #tpu.memory_space<vmem>> -> memref<80x16xf32, #tpu.memory_space<vmem>>
        %dma_start3A_172 = arith.constant 0 : i32
        %dma_start3A_173 = tpu.memref_slice %arg4[%multiple_of3A_105, %dma_start3A_172] : memref<320000x16xf32, #tpu.memory_space<hbm>> -> memref<80x16xf32, #tpu.memory_space<hbm>>
        %dma_start3A_174 = arith.constant 0 : i32
        %dma_start3A_175 = tpu.memref_slice %arg4[%multiple_of3A_105, %dma_start3A_174] : memref<320000x16xf32, #tpu.memory_space<hbm>> -> memref<80x16xf32, #tpu.memory_space<hbm>>
        %dma_start3A_176 = arith.constant 0 : i32
        %dma_start3A_177 = arith.constant 0 : i32
        %dma_start3A_178 = tpu.memref_slice %arg6[%run_scoped3A_106, %dma_start3A_176, %dma_start3A_177] : memref<4x80x16xf32, #tpu.memory_space<vmem>> -> memref<1x80x16xf32, #tpu.memory_space<vmem>>
        %dma_start3A_179 = tpu.memref_squeeze %dma_start3A_178 : memref<1x80x16xf32, #tpu.memory_space<vmem>> -> memref<80x16xf32, #tpu.memory_space<vmem>>
        tpu.enqueue_dma source(%dma_start3A_179 : memref<80x16xf32, #tpu.memory_space<vmem>>) target(%dma_start3A_175 : memref<80x16xf32, #tpu.memory_space<hbm>>) target_semaphore(%run_scoped3A_167 : memref<!tpu.dma_semaphore, #tpu.memory_space<semaphore_mem>>)
        %dma_wait3A_180 = arith.constant 0 : i32
        %dma_wait3A_181 = arith.constant 0 : i32
        %dma_wait3A_182 = tpu.memref_slice %arg6[%run_scoped3A_106, %dma_wait3A_180, %dma_wait3A_181] : memref<4x80x16xf32, #tpu.memory_space<vmem>> -> memref<1x80x16xf32, #tpu.memory_space<vmem>>
        %dma_wait3A_183 = tpu.memref_squeeze %dma_wait3A_182 : memref<1x80x16xf32, #tpu.memory_space<vmem>> -> memref<80x16xf32, #tpu.memory_space<vmem>>
        %dma_wait3A_184 = arith.constant 0 : i32
        %dma_wait3A_185 = tpu.memref_slice %arg4[%multiple_of3A_105, %dma_wait3A_184] : memref<320000x16xf32, #tpu.memory_space<hbm>> -> memref<80x16xf32, #tpu.memory_space<hbm>>
        %dma_wait3A_186 = arith.constant 0 : i32
        %dma_wait3A_187 = tpu.memref_slice %arg4[%multiple_of3A_105, %dma_wait3A_186] : memref<320000x16xf32, #tpu.memory_space<hbm>> -> memref<80x16xf32, #tpu.memory_space<hbm>>
        %dma_wait3A_188 = arith.constant 0 : i32
        %dma_wait3A_189 = arith.constant 0 : i32
        %dma_wait3A_190 = tpu.memref_slice %arg6[%run_scoped3A_106, %dma_wait3A_188, %dma_wait3A_189] : memref<4x80x16xf32, #tpu.memory_space<vmem>> -> memref<1x80x16xf32, #tpu.memory_space<vmem>>
        %dma_wait3A_191 = tpu.memref_squeeze %dma_wait3A_190 : memref<1x80x16xf32, #tpu.memory_space<vmem>> -> memref<80x16xf32, #tpu.memory_space<vmem>>
        tpu.wait_dma2 semaphore(%run_scoped3A_167 : memref<!tpu.dma_semaphore, #tpu.memory_space<semaphore_mem>>) src(%dma_wait3A_191 : memref<80x16xf32, #tpu.memory_space<vmem>>) dst(%dma_wait3A_187 : memref<80x16xf32, #tpu.memory_space<hbm>>)
        tpu.yield
      }) : () -> ()
      %dma_wait3A_107 = arith.constant 1 : i32
      %dma_wait3A_108 = arith.constant 0 : i32
      %dma_wait3A_109 = arith.constant 0 : i32
      %dma_wait3A_110 = tpu.memref_slice %arg6[%dma_wait3A_107, %dma_wait3A_108, %dma_wait3A_109] : memref<4x80x16xf32, #tpu.memory_space<vmem>> -> memref<1x80x16xf32, #tpu.memory_space<vmem>>
      %dma_wait3A_111 = tpu.memref_squeeze %dma_wait3A_110 : memref<1x80x16xf32, #tpu.memory_space<vmem>> -> memref<80x16xf32, #tpu.memory_space<vmem>>
      %dma_wait3A_112 = arith.constant 0 : i32
      %dma_wait3A_113 = tpu.memref_slice %arg5[%add3A_49, %dma_wait3A_112] : memref<125x80xi32, #tpu.memory_space<vmem>> -> memref<1x80xi32, #tpu.memory_space<vmem>>
      %dma_wait3A_114 = tpu.memref_squeeze %dma_wait3A_113 : memref<1x80xi32, #tpu.memory_space<vmem>> -> memref<80xi32, #tpu.memory_space<vmem>>
      %dma_wait3A_115 = arith.constant 0 : i32
      %dma_wait3A_116 = arith.constant 0 : i32
      %dma_wait3A_117 = tpu.memref_slice %arg2[%dma_wait3A_115, %dma_wait3A_116] : memref<10000x16xf32, #tpu.memory_space<hbm>> -> memref<10000x16xf32, #tpu.memory_space<hbm>>
      tpu.wait_indirect_dma semaphore(%arg8 : memref<!tpu.dma_semaphore, #tpu.memory_space<semaphore_mem>>) src(%dma_wait3A_117 : memref<10000x16xf32, #tpu.memory_space<hbm>>) dst(%dma_wait3A_111 : memref<80x16xf32, #tpu.memory_space<vmem>>)
      %mul3A_118 = arith.constant 10000 : i32
      %mul3A_119 = arith.muli %add3A, %mul3A_118 : i32
      %add3A_120 = arith.constant 1 : i32
      %add3A_121 = arith.addi %mul3A_34, %add3A_120 : i32
      %mul3A_122 = arith.constant 80 : i32
      %mul3A_123 = arith.muli %add3A_121, %mul3A_122 : i32
      %add3A_124 = arith.addi %mul3A_119, %mul3A_123 : i32
      %multiple_of3A_125 = tpu.assume_multiple %add3A_124, 8 : i32
      %run_scoped3A_126 = arith.constant 1 : i32
      "tpu.region"() ({
        %run_scoped3A_167 = tpu.sem_alloc : memref<!tpu.dma_semaphore, #tpu.memory_space<semaphore_mem>>
        %dma_start3A_168 = arith.constant 0 : i32
        %dma_start3A_169 = arith.constant 0 : i32
        %dma_start3A_170 = tpu.memref_slice %arg6[%run_scoped3A_126, %dma_start3A_168, %dma_start3A_169] : memref<4x80x16xf32, #tpu.memory_space<vmem>> -> memref<1x80x16xf32, #tpu.memory_space<vmem>>
        %dma_start3A_171 = tpu.memref_squeeze %dma_start3A_170 : memref<1x80x16xf32, #tpu.memory_space<vmem>> -> memref<80x16xf32, #tpu.memory_space<vmem>>
        %dma_start3A_172 = arith.constant 0 : i32
        %dma_start3A_173 = tpu.memref_slice %arg4[%multiple_of3A_125, %dma_start3A_172] : memref<320000x16xf32, #tpu.memory_space<hbm>> -> memref<80x16xf32, #tpu.memory_space<hbm>>
        %dma_start3A_174 = arith.constant 0 : i32
        %dma_start3A_175 = tpu.memref_slice %arg4[%multiple_of3A_125, %dma_start3A_174] : memref<320000x16xf32, #tpu.memory_space<hbm>> -> memref<80x16xf32, #tpu.memory_space<hbm>>
        %dma_start3A_176 = arith.constant 0 : i32
        %dma_start3A_177 = arith.constant 0 : i32
        %dma_start3A_178 = tpu.memref_slice %arg6[%run_scoped3A_126, %dma_start3A_176, %dma_start3A_177] : memref<4x80x16xf32, #tpu.memory_space<vmem>> -> memref<1x80x16xf32, #tpu.memory_space<vmem>>
        %dma_start3A_179 = tpu.memref_squeeze %dma_start3A_178 : memref<1x80x16xf32, #tpu.memory_space<vmem>> -> memref<80x16xf32, #tpu.memory_space<vmem>>
        tpu.enqueue_dma source(%dma_start3A_179 : memref<80x16xf32, #tpu.memory_space<vmem>>) target(%dma_start3A_175 : memref<80x16xf32, #tpu.memory_space<hbm>>) target_semaphore(%run_scoped3A_167 : memref<!tpu.dma_semaphore, #tpu.memory_space<semaphore_mem>>)
        %dma_wait3A_180 = arith.constant 0 : i32
        %dma_wait3A_181 = arith.constant 0 : i32
        %dma_wait3A_182 = tpu.memref_slice %arg6[%run_scoped3A_126, %dma_wait3A_180, %dma_wait3A_181] : memref<4x80x16xf32, #tpu.memory_space<vmem>> -> memref<1x80x16xf32, #tpu.memory_space<vmem>>
        %dma_wait3A_183 = tpu.memref_squeeze %dma_wait3A_182 : memref<1x80x16xf32, #tpu.memory_space<vmem>> -> memref<80x16xf32, #tpu.memory_space<vmem>>
        %dma_wait3A_184 = arith.constant 0 : i32
        %dma_wait3A_185 = tpu.memref_slice %arg4[%multiple_of3A_125, %dma_wait3A_184] : memref<320000x16xf32, #tpu.memory_space<hbm>> -> memref<80x16xf32, #tpu.memory_space<hbm>>
        %dma_wait3A_186 = arith.constant 0 : i32
        %dma_wait3A_187 = tpu.memref_slice %arg4[%multiple_of3A_125, %dma_wait3A_186] : memref<320000x16xf32, #tpu.memory_space<hbm>> -> memref<80x16xf32, #tpu.memory_space<hbm>>
        %dma_wait3A_188 = arith.constant 0 : i32
        %dma_wait3A_189 = arith.constant 0 : i32
        %dma_wait3A_190 = tpu.memref_slice %arg6[%run_scoped3A_126, %dma_wait3A_188, %dma_wait3A_189] : memref<4x80x16xf32, #tpu.memory_space<vmem>> -> memref<1x80x16xf32, #tpu.memory_space<vmem>>
        %dma_wait3A_191 = tpu.memref_squeeze %dma_wait3A_190 : memref<1x80x16xf32, #tpu.memory_space<vmem>> -> memref<80x16xf32, #tpu.memory_space<vmem>>
        tpu.wait_dma2 semaphore(%run_scoped3A_167 : memref<!tpu.dma_semaphore, #tpu.memory_space<semaphore_mem>>) src(%dma_wait3A_191 : memref<80x16xf32, #tpu.memory_space<vmem>>) dst(%dma_wait3A_187 : memref<80x16xf32, #tpu.memory_space<hbm>>)
        tpu.yield
      }) : () -> ()
      %dma_wait3A_127 = arith.constant 2 : i32
      %dma_wait3A_128 = arith.constant 0 : i32
      %dma_wait3A_129 = arith.constant 0 : i32
      %dma_wait3A_130 = tpu.memref_slice %arg6[%dma_wait3A_127, %dma_wait3A_128, %dma_wait3A_129] : memref<4x80x16xf32, #tpu.memory_space<vmem>> -> memref<1x80x16xf32, #tpu.memory_space<vmem>>
      %dma_wait3A_131 = tpu.memref_squeeze %dma_wait3A_130 : memref<1x80x16xf32, #tpu.memory_space<vmem>> -> memref<80x16xf32, #tpu.memory_space<vmem>>
      %dma_wait3A_132 = arith.constant 0 : i32
      %dma_wait3A_133 = tpu.memref_slice %arg5[%add3A_62, %dma_wait3A_132] : memref<125x80xi32, #tpu.memory_space<vmem>> -> memref<1x80xi32, #tpu.memory_space<vmem>>
      %dma_wait3A_134 = tpu.memref_squeeze %dma_wait3A_133 : memref<1x80xi32, #tpu.memory_space<vmem>> -> memref<80xi32, #tpu.memory_space<vmem>>
      %dma_wait3A_135 = arith.constant 0 : i32
      %dma_wait3A_136 = arith.constant 0 : i32
      %dma_wait3A_137 = tpu.memref_slice %arg2[%dma_wait3A_135, %dma_wait3A_136] : memref<10000x16xf32, #tpu.memory_space<hbm>> -> memref<10000x16xf32, #tpu.memory_space<hbm>>
      tpu.wait_indirect_dma semaphore(%arg9 : memref<!tpu.dma_semaphore, #tpu.memory_space<semaphore_mem>>) src(%dma_wait3A_137 : memref<10000x16xf32, #tpu.memory_space<hbm>>) dst(%dma_wait3A_131 : memref<80x16xf32, #tpu.memory_space<vmem>>)
      %mul3A_138 = arith.constant 10000 : i32
      %mul3A_139 = arith.muli %add3A, %mul3A_138 : i32
      %add3A_140 = arith.constant 2 : i32
      %add3A_141 = arith.addi %mul3A_34, %add3A_140 : i32
      %mul3A_142 = arith.constant 80 : i32
      %mul3A_143 = arith.muli %add3A_141, %mul3A_142 : i32
      %add3A_144 = arith.addi %mul3A_139, %mul3A_143 : i32
      %multiple_of3A_145 = tpu.assume_multiple %add3A_144, 8 : i32
      %run_scoped3A_146 = arith.constant 2 : i32
      "tpu.region"() ({
        %run_scoped3A_167 = tpu.sem_alloc : memref<!tpu.dma_semaphore, #tpu.memory_space<semaphore_mem>>
        %dma_start3A_168 = arith.constant 0 : i32
        %dma_start3A_169 = arith.constant 0 : i32
        %dma_start3A_170 = tpu.memref_slice %arg6[%run_scoped3A_146, %dma_start3A_168, %dma_start3A_169] : memref<4x80x16xf32, #tpu.memory_space<vmem>> -> memref<1x80x16xf32, #tpu.memory_space<vmem>>
        %dma_start3A_171 = tpu.memref_squeeze %dma_start3A_170 : memref<1x80x16xf32, #tpu.memory_space<vmem>> -> memref<80x16xf32, #tpu.memory_space<vmem>>
        %dma_start3A_172 = arith.constant 0 : i32
        %dma_start3A_173 = tpu.memref_slice %arg4[%multiple_of3A_145, %dma_start3A_172] : memref<320000x16xf32, #tpu.memory_space<hbm>> -> memref<80x16xf32, #tpu.memory_space<hbm>>
        %dma_start3A_174 = arith.constant 0 : i32
        %dma_start3A_175 = tpu.memref_slice %arg4[%multiple_of3A_145, %dma_start3A_174] : memref<320000x16xf32, #tpu.memory_space<hbm>> -> memref<80x16xf32, #tpu.memory_space<hbm>>
        %dma_start3A_176 = arith.constant 0 : i32
        %dma_start3A_177 = arith.constant 0 : i32
        %dma_start3A_178 = tpu.memref_slice %arg6[%run_scoped3A_146, %dma_start3A_176, %dma_start3A_177] : memref<4x80x16xf32, #tpu.memory_space<vmem>> -> memref<1x80x16xf32, #tpu.memory_space<vmem>>
        %dma_start3A_179 = tpu.memref_squeeze %dma_start3A_178 : memref<1x80x16xf32, #tpu.memory_space<vmem>> -> memref<80x16xf32, #tpu.memory_space<vmem>>
        tpu.enqueue_dma source(%dma_start3A_179 : memref<80x16xf32, #tpu.memory_space<vmem>>) target(%dma_start3A_175 : memref<80x16xf32, #tpu.memory_space<hbm>>) target_semaphore(%run_scoped3A_167 : memref<!tpu.dma_semaphore, #tpu.memory_space<semaphore_mem>>)
        %dma_wait3A_180 = arith.constant 0 : i32
        %dma_wait3A_181 = arith.constant 0 : i32
        %dma_wait3A_182 = tpu.memref_slice %arg6[%run_scoped3A_146, %dma_wait3A_180, %dma_wait3A_181] : memref<4x80x16xf32, #tpu.memory_space<vmem>> -> memref<1x80x16xf32, #tpu.memory_space<vmem>>
        %dma_wait3A_183 = tpu.memref_squeeze %dma_wait3A_182 : memref<1x80x16xf32, #tpu.memory_space<vmem>> -> memref<80x16xf32, #tpu.memory_space<vmem>>
        %dma_wait3A_184 = arith.constant 0 : i32
        %dma_wait3A_185 = tpu.memref_slice %arg4[%multiple_of3A_145, %dma_wait3A_184] : memref<320000x16xf32, #tpu.memory_space<hbm>> -> memref<80x16xf32, #tpu.memory_space<hbm>>
        %dma_wait3A_186 = arith.constant 0 : i32
        %dma_wait3A_187 = tpu.memref_slice %arg4[%multiple_of3A_145, %dma_wait3A_186] : memref<320000x16xf32, #tpu.memory_space<hbm>> -> memref<80x16xf32, #tpu.memory_space<hbm>>
        %dma_wait3A_188 = arith.constant 0 : i32
        %dma_wait3A_189 = arith.constant 0 : i32
        %dma_wait3A_190 = tpu.memref_slice %arg6[%run_scoped3A_146, %dma_wait3A_188, %dma_wait3A_189] : memref<4x80x16xf32, #tpu.memory_space<vmem>> -> memref<1x80x16xf32, #tpu.memory_space<vmem>>
        %dma_wait3A_191 = tpu.memref_squeeze %dma_wait3A_190 : memref<1x80x16xf32, #tpu.memory_space<vmem>> -> memref<80x16xf32, #tpu.memory_space<vmem>>
        tpu.wait_dma2 semaphore(%run_scoped3A_167 : memref<!tpu.dma_semaphore, #tpu.memory_space<semaphore_mem>>) src(%dma_wait3A_191 : memref<80x16xf32, #tpu.memory_space<vmem>>) dst(%dma_wait3A_187 : memref<80x16xf32, #tpu.memory_space<hbm>>)
        tpu.yield
      }) : () -> ()
      %dma_wait3A_147 = arith.constant 3 : i32
      %dma_wait3A_148 = arith.constant 0 : i32
      %dma_wait3A_149 = arith.constant 0 : i32
      %dma_wait3A_150 = tpu.memref_slice %arg6[%dma_wait3A_147, %dma_wait3A_148, %dma_wait3A_149] : memref<4x80x16xf32, #tpu.memory_space<vmem>> -> memref<1x80x16xf32, #tpu.memory_space<vmem>>
      %dma_wait3A_151 = tpu.memref_squeeze %dma_wait3A_150 : memref<1x80x16xf32, #tpu.memory_space<vmem>> -> memref<80x16xf32, #tpu.memory_space<vmem>>
      %dma_wait3A_152 = arith.constant 0 : i32
      %dma_wait3A_153 = tpu.memref_slice %arg5[%add3A_75, %dma_wait3A_152] : memref<125x80xi32, #tpu.memory_space<vmem>> -> memref<1x80xi32, #tpu.memory_space<vmem>>
      %dma_wait3A_154 = tpu.memref_squeeze %dma_wait3A_153 : memref<1x80xi32, #tpu.memory_space<vmem>> -> memref<80xi32, #tpu.memory_space<vmem>>
      %dma_wait3A_155 = arith.constant 0 : i32
      %dma_wait3A_156 = arith.constant 0 : i32
      %dma_wait3A_157 = tpu.memref_slice %arg2[%dma_wait3A_155, %dma_wait3A_156] : memref<10000x16xf32, #tpu.memory_space<hbm>> -> memref<10000x16xf32, #tpu.memory_space<hbm>>
      tpu.wait_indirect_dma semaphore(%arg10 : memref<!tpu.dma_semaphore, #tpu.memory_space<semaphore_mem>>) src(%dma_wait3A_157 : memref<10000x16xf32, #tpu.memory_space<hbm>>) dst(%dma_wait3A_151 : memref<80x16xf32, #tpu.memory_space<vmem>>)
      %mul3A_158 = arith.constant 10000 : i32
      %mul3A_159 = arith.muli %add3A, %mul3A_158 : i32
      %add3A_160 = arith.constant 3 : i32
      %add3A_161 = arith.addi %mul3A_34, %add3A_160 : i32
      %mul3A_162 = arith.constant 80 : i32
      %mul3A_163 = arith.muli %add3A_161, %mul3A_162 : i32
      %add3A_164 = arith.addi %mul3A_159, %mul3A_163 : i32
      %multiple_of3A_165 = tpu.assume_multiple %add3A_164, 8 : i32
      %run_scoped3A_166 = arith.constant 3 : i32
      "tpu.region"() ({
        %run_scoped3A_167 = tpu.sem_alloc : memref<!tpu.dma_semaphore, #tpu.memory_space<semaphore_mem>>
        %dma_start3A_168 = arith.constant 0 : i32
        %dma_start3A_169 = arith.constant 0 : i32
        %dma_start3A_170 = tpu.memref_slice %arg6[%run_scoped3A_166, %dma_start3A_168, %dma_start3A_169] : memref<4x80x16xf32, #tpu.memory_space<vmem>> -> memref<1x80x16xf32, #tpu.memory_space<vmem>>
        %dma_start3A_171 = tpu.memref_squeeze %dma_start3A_170 : memref<1x80x16xf32, #tpu.memory_space<vmem>> -> memref<80x16xf32, #tpu.memory_space<vmem>>
        %dma_start3A_172 = arith.constant 0 : i32
        %dma_start3A_173 = tpu.memref_slice %arg4[%multiple_of3A_165, %dma_start3A_172] : memref<320000x16xf32, #tpu.memory_space<hbm>> -> memref<80x16xf32, #tpu.memory_space<hbm>>
        %dma_start3A_174 = arith.constant 0 : i32
        %dma_start3A_175 = tpu.memref_slice %arg4[%multiple_of3A_165, %dma_start3A_174] : memref<320000x16xf32, #tpu.memory_space<hbm>> -> memref<80x16xf32, #tpu.memory_space<hbm>>
        %dma_start3A_176 = arith.constant 0 : i32
        %dma_start3A_177 = arith.constant 0 : i32
        %dma_start3A_178 = tpu.memref_slice %arg6[%run_scoped3A_166, %dma_start3A_176, %dma_start3A_177] : memref<4x80x16xf32, #tpu.memory_space<vmem>> -> memref<1x80x16xf32, #tpu.memory_space<vmem>>
        %dma_start3A_179 = tpu.memref_squeeze %dma_start3A_178 : memref<1x80x16xf32, #tpu.memory_space<vmem>> -> memref<80x16xf32, #tpu.memory_space<vmem>>
        tpu.enqueue_dma source(%dma_start3A_179 : memref<80x16xf32, #tpu.memory_space<vmem>>) target(%dma_start3A_175 : memref<80x16xf32, #tpu.memory_space<hbm>>) target_semaphore(%run_scoped3A_167 : memref<!tpu.dma_semaphore, #tpu.memory_space<semaphore_mem>>)
        %dma_wait3A_180 = arith.constant 0 : i32
        %dma_wait3A_181 = arith.constant 0 : i32
        %dma_wait3A_182 = tpu.memref_slice %arg6[%run_scoped3A_166, %dma_wait3A_180, %dma_wait3A_181] : memref<4x80x16xf32, #tpu.memory_space<vmem>> -> memref<1x80x16xf32, #tpu.memory_space<vmem>>
        %dma_wait3A_183 = tpu.memref_squeeze %dma_wait3A_182 : memref<1x80x16xf32, #tpu.memory_space<vmem>> -> memref<80x16xf32, #tpu.memory_space<vmem>>
        %dma_wait3A_184 = arith.constant 0 : i32
        %dma_wait3A_185 = tpu.memref_slice %arg4[%multiple_of3A_165, %dma_wait3A_184] : memref<320000x16xf32, #tpu.memory_space<hbm>> -> memref<80x16xf32, #tpu.memory_space<hbm>>
        %dma_wait3A_186 = arith.constant 0 : i32
        %dma_wait3A_187 = tpu.memref_slice %arg4[%multiple_of3A_165, %dma_wait3A_186] : memref<320000x16xf32, #tpu.memory_space<hbm>> -> memref<80x16xf32, #tpu.memory_space<hbm>>
        %dma_wait3A_188 = arith.constant 0 : i32
        %dma_wait3A_189 = arith.constant 0 : i32
        %dma_wait3A_190 = tpu.memref_slice %arg6[%run_scoped3A_166, %dma_wait3A_188, %dma_wait3A_189] : memref<4x80x16xf32, #tpu.memory_space<vmem>> -> memref<1x80x16xf32, #tpu.memory_space<vmem>>
        %dma_wait3A_191 = tpu.memref_squeeze %dma_wait3A_190 : memref<1x80x16xf32, #tpu.memory_space<vmem>> -> memref<80x16xf32, #tpu.memory_space<vmem>>
        tpu.wait_dma2 semaphore(%run_scoped3A_167 : memref<!tpu.dma_semaphore, #tpu.memory_space<semaphore_mem>>) src(%dma_wait3A_191 : memref<80x16xf32, #tpu.memory_space<vmem>>) dst(%dma_wait3A_187 : memref<80x16xf32, #tpu.memory_space<hbm>>)
        tpu.yield
      }) : () -> ()
    }
    %scan3A_5 = arith.constant 31 : i32
    %dma_start3A = arith.constant 124 : i32
    %dma_start3A_6 = arith.constant 0 : i32
    %dma_start3A_7 = arith.constant 0 : i32
    %dma_start3A_8 = arith.constant 0 : i32
    %dma_start3A_9 = tpu.memref_slice %arg6[%dma_start3A_6, %dma_start3A_7, %dma_start3A_8] : memref<4x80x16xf32, #tpu.memory_space<vmem>> -> memref<1x80x16xf32, #tpu.memory_space<vmem>>
    %dma_start3A_10 = tpu.memref_squeeze %dma_start3A_9 : memref<1x80x16xf32, #tpu.memory_space<vmem>> -> memref<80x16xf32, #tpu.memory_space<vmem>>
    %dma_start3A_11 = arith.constant 0 : i32
    %dma_start3A_12 = tpu.memref_slice %arg5[%dma_start3A, %dma_start3A_11] : memref<125x80xi32, #tpu.memory_space<vmem>> -> memref<1x80xi32, #tpu.memory_space<vmem>>
    %dma_start3A_13 = tpu.memref_squeeze %dma_start3A_12 : memref<1x80xi32, #tpu.memory_space<vmem>> -> memref<80xi32, #tpu.memory_space<vmem>>
    %dma_start3A_14 = arith.constant 0 : i32
    %dma_start3A_15 = arith.constant 0 : i32
    %dma_start3A_16 = tpu.memref_slice %arg2[%dma_start3A_14, %dma_start3A_15] : memref<10000x16xf32, #tpu.memory_space<hbm>> -> memref<10000x16xf32, #tpu.memory_space<hbm>>
    tpu.enqueue_indirect_dma source(%dma_start3A_16 : memref<10000x16xf32, #tpu.memory_space<hbm>>) target(%dma_start3A_10 : memref<80x16xf32, #tpu.memory_space<vmem>>) offsets(%dma_start3A_13 : memref<80xi32, #tpu.memory_space<vmem>>) semaphore(%arg7 : memref<!tpu.dma_semaphore, #tpu.memory_space<semaphore_mem>>)
    %dma_wait3A = arith.constant 124 : i32
    %dma_wait3A_17 = arith.constant 0 : i32
    %dma_wait3A_18 = arith.constant 0 : i32
    %dma_wait3A_19 = arith.constant 0 : i32
    %dma_wait3A_20 = tpu.memref_slice %arg6[%dma_wait3A_17, %dma_wait3A_18, %dma_wait3A_19] : memref<4x80x16xf32, #tpu.memory_space<vmem>> -> memref<1x80x16xf32, #tpu.memory_space<vmem>>
    %dma_wait3A_21 = tpu.memref_squeeze %dma_wait3A_20 : memref<1x80x16xf32, #tpu.memory_space<vmem>> -> memref<80x16xf32, #tpu.memory_space<vmem>>
    %dma_wait3A_22 = arith.constant 0 : i32
    %dma_wait3A_23 = tpu.memref_slice %arg5[%dma_wait3A, %dma_wait3A_22] : memref<125x80xi32, #tpu.memory_space<vmem>> -> memref<1x80xi32, #tpu.memory_space<vmem>>
    %dma_wait3A_24 = tpu.memref_squeeze %dma_wait3A_23 : memref<1x80xi32, #tpu.memory_space<vmem>> -> memref<80xi32, #tpu.memory_space<vmem>>
    %dma_wait3A_25 = arith.constant 0 : i32
    %dma_wait3A_26 = arith.constant 0 : i32
    %dma_wait3A_27 = tpu.memref_slice %arg2[%dma_wait3A_25, %dma_wait3A_26] : memref<10000x16xf32, #tpu.memory_space<hbm>> -> memref<10000x16xf32, #tpu.memory_space<hbm>>
    tpu.wait_indirect_dma semaphore(%arg7 : memref<!tpu.dma_semaphore, #tpu.memory_space<semaphore_mem>>) src(%dma_wait3A_27 : memref<10000x16xf32, #tpu.memory_space<hbm>>) dst(%dma_wait3A_21 : memref<80x16xf32, #tpu.memory_space<vmem>>)
    %mul3A_28 = arith.constant 10000 : i32
    %mul3A_29 = arith.muli %add3A, %mul3A_28 : i32
    %add3A_30 = arith.constant 9920 : i32
    %add3A_31 = arith.addi %mul3A_29, %add3A_30 : i32
    %multiple_of3A = tpu.assume_multiple %add3A_31, 8 : i32
    %run_scoped3A = arith.constant 0 : i32
    "tpu.region"() ({
      %run_scoped3A_32 = tpu.sem_alloc : memref<!tpu.dma_semaphore, #tpu.memory_space<semaphore_mem>>
      %dma_start3A_33 = arith.constant 0 : i32
      %dma_start3A_34 = arith.constant 0 : i32
      %dma_start3A_35 = tpu.memref_slice %arg6[%run_scoped3A, %dma_start3A_33, %dma_start3A_34] : memref<4x80x16xf32, #tpu.memory_space<vmem>> -> memref<1x80x16xf32, #tpu.memory_space<vmem>>
      %dma_start3A_36 = tpu.memref_squeeze %dma_start3A_35 : memref<1x80x16xf32, #tpu.memory_space<vmem>> -> memref<80x16xf32, #tpu.memory_space<vmem>>
      %dma_start3A_37 = arith.constant 0 : i32
      %dma_start3A_38 = tpu.memref_slice %arg4[%multiple_of3A, %dma_start3A_37] : memref<320000x16xf32, #tpu.memory_space<hbm>> -> memref<80x16xf32, #tpu.memory_space<hbm>>
      %dma_start3A_39 = arith.constant 0 : i32
      %dma_start3A_40 = tpu.memref_slice %arg4[%multiple_of3A, %dma_start3A_39] : memref<320000x16xf32, #tpu.memory_space<hbm>> -> memref<80x16xf32, #tpu.memory_space<hbm>>
      %dma_start3A_41 = arith.constant 0 : i32
      %dma_start3A_42 = arith.constant 0 : i32
      %dma_start3A_43 = tpu.memref_slice %arg6[%run_scoped3A, %dma_start3A_41, %dma_start3A_42] : memref<4x80x16xf32, #tpu.memory_space<vmem>> -> memref<1x80x16xf32, #tpu.memory_space<vmem>>
      %dma_start3A_44 = tpu.memref_squeeze %dma_start3A_43 : memref<1x80x16xf32, #tpu.memory_space<vmem>> -> memref<80x16xf32, #tpu.memory_space<vmem>>
      tpu.enqueue_dma source(%dma_start3A_44 : memref<80x16xf32, #tpu.memory_space<vmem>>) target(%dma_start3A_40 : memref<80x16xf32, #tpu.memory_space<hbm>>) target_semaphore(%run_scoped3A_32 : memref<!tpu.dma_semaphore, #tpu.memory_space<semaphore_mem>>)
      %dma_wait3A_45 = arith.constant 0 : i32
      %dma_wait3A_46 = arith.constant 0 : i32
      %dma_wait3A_47 = tpu.memref_slice %arg6[%run_scoped3A, %dma_wait3A_45, %dma_wait3A_46] : memref<4x80x16xf32, #tpu.memory_space<vmem>> -> memref<1x80x16xf32, #tpu.memory_space<vmem>>
      %dma_wait3A_48 = tpu.memref_squeeze %dma_wait3A_47 : memref<1x80x16xf32, #tpu.memory_space<vmem>> -> memref<80x16xf32, #tpu.memory_space<vmem>>
      %dma_wait3A_49 = arith.constant 0 : i32
      %dma_wait3A_50 = tpu.memref_slice %arg4[%multiple_of3A, %dma_wait3A_49] : memref<320000x16xf32, #tpu.memory_space<hbm>> -> memref<80x16xf32, #tpu.memory_space<hbm>>
      %dma_wait3A_51 = arith.constant 0 : i32
      %dma_wait3A_52 = tpu.memref_slice %arg4[%multiple_of3A, %dma_wait3A_51] : memref<320000x16xf32, #tpu.memory_space<hbm>> -> memref<80x16xf32, #tpu.memory_space<hbm>>
      %dma_wait3A_53 = arith.constant 0 : i32
      %dma_wait3A_54 = arith.constant 0 : i32
      %dma_wait3A_55 = tpu.memref_slice %arg6[%run_scoped3A, %dma_wait3A_53, %dma_wait3A_54] : memref<4x80x16xf32, #tpu.memory_space<vmem>> -> memref<1x80x16xf32, #tpu.memory_space<vmem>>
      %dma_wait3A_56 = tpu.memref_squeeze %dma_wait3A_55 : memref<1x80x16xf32, #tpu.memory_space<vmem>> -> memref<80x16xf32, #tpu.memory_space<vmem>>
      tpu.wait_dma2 semaphore(%run_scoped3A_32 : memref<!tpu.dma_semaphore, #tpu.memory_space<semaphore_mem>>) src(%dma_wait3A_56 : memref<80x16xf32, #tpu.memory_space<vmem>>) dst(%dma_wait3A_52 : memref<80x16xf32, #tpu.memory_space<hbm>>)
      tpu.yield
    }) : () -> ()
    return
  }
}

#map = affine_map<(d0, d1) -> (0, 0)>
#map1 = affine_map<(d0, d1) -> (0, 0, 0)>
module attributes {stable_mosaic.version = 14 : i64} {
  func.func @scatter_kernel(%arg0: i32, %arg1: i32, %arg2: memref<320000x48xf32, #tpu.memory_space<hbm>>, %arg3: memref<32x125x80xi32, #tpu.memory_space<hbm>>, %arg4: memref<640x48xf32, #tpu.memory_space<hbm>>, %arg5: memref<2x10240x48xf32, #tpu.memory_space<hbm>>, %arg6: memref<125x80xi32, #tpu.memory_space<vmem>>, %arg7: memref<4x80x48xf32, #tpu.memory_space<vmem>>, %arg8: memref<10240x48xf32, #tpu.memory_space<vmem_shared>>, %arg9: memref<!tpu.dma_semaphore, #tpu.memory_space<semaphore_mem>>, %arg10: memref<!tpu.dma_semaphore, #tpu.memory_space<semaphore_mem>>, %arg11: memref<!tpu.dma_semaphore, #tpu.memory_space<semaphore_mem>>, %arg12: memref<!tpu.dma_semaphore, #tpu.memory_space<semaphore_mem>>, %arg13: memref<!tpu.dma_semaphore, #tpu.memory_space<semaphore_mem>>, %arg14: memref<!tpu.dma_semaphore, #tpu.memory_space<semaphore_mem>>, %arg15: memref<!tpu.dma_semaphore, #tpu.memory_space<semaphore_mem>>, %arg16: memref<!tpu.dma_semaphore, #tpu.memory_space<semaphore_mem>>) attributes {dimension_semantics = [#tpu.dimension_semantics<core_parallel>, #tpu.dimension_semantics<subcore_parallel>], iteration_bounds = array<i64: 2, 16>, scalar_prefetch = 0 : i64, scratch_operands = 11 : i64, tpu.core_type = #tpu.core_type<sc_vector_subcore>, window_params = [{transform_indices = #map}, {transform_indices = #map1}, {transform_indices = #map}, {transform_indices = #map1}]} {
    %mul3A = arith.constant 2 : i32
    %mul3A_0 = arith.muli %arg1, %mul3A : i32
    %add3A = arith.addi %mul3A_0, %arg0 : i32
    %mul3A_1 = arith.constant 640 : i32
    %mul3A_2 = arith.muli %arg1, %mul3A_1 : i32
    %multiple_of3A = tpu.assume_multiple %mul3A_2, 8 : i32
    "tpu.region"() ({
      %run_scoped3A_39 = tpu.sem_alloc : memref<!tpu.dma_semaphore, #tpu.memory_space<semaphore_mem>>
      %dma_start3A_40 = arith.constant 0 : i32
      %dma_start3A_41 = tpu.memref_slice %arg8[%multiple_of3A, %dma_start3A_40] : memref<10240x48xf32, #tpu.memory_space<vmem_shared>> -> memref<640x48xf32, #tpu.memory_space<vmem_shared>>
      tpu.enqueue_dma source(%arg4 : memref<640x48xf32, #tpu.memory_space<hbm>>) target(%dma_start3A_41 : memref<640x48xf32, #tpu.memory_space<vmem_shared>>) target_semaphore(%run_scoped3A_39 : memref<!tpu.dma_semaphore, #tpu.memory_space<semaphore_mem>>)
      %dma_wait3A_42 = arith.constant 0 : i32
      %dma_wait3A_43 = tpu.memref_slice %arg8[%multiple_of3A, %dma_wait3A_42] : memref<10240x48xf32, #tpu.memory_space<vmem_shared>> -> memref<640x48xf32, #tpu.memory_space<vmem_shared>>
      tpu.wait_dma2 semaphore(%run_scoped3A_39 : memref<!tpu.dma_semaphore, #tpu.memory_space<semaphore_mem>>) src(%arg4 : memref<640x48xf32, #tpu.memory_space<hbm>>) dst(%dma_wait3A_43 : memref<640x48xf32, #tpu.memory_space<vmem_shared>>)
      tpu.yield
    }) : () -> ()
    %barrier3A = arith.constant 0 : index
    tpu.barrier barrier_id(%barrier3A)
    "tpu.region"() ({
      %run_scoped3A_39 = tpu.sem_alloc : memref<!tpu.dma_semaphore, #tpu.memory_space<semaphore_mem>>
      %dma_start3A_40 = arith.constant 0 : i32
      %dma_start3A_41 = arith.constant 0 : i32
      %dma_start3A_42 = tpu.memref_slice %arg3[%add3A, %dma_start3A_40, %dma_start3A_41] : memref<32x125x80xi32, #tpu.memory_space<hbm>> -> memref<1x125x80xi32, #tpu.memory_space<hbm>>
      %dma_start3A_43 = tpu.memref_squeeze %dma_start3A_42 : memref<1x125x80xi32, #tpu.memory_space<hbm>> -> memref<125x80xi32, #tpu.memory_space<hbm>>
      %dma_start3A_44 = arith.constant 0 : i32
      %dma_start3A_45 = arith.constant 0 : i32
      %dma_start3A_46 = tpu.memref_slice %arg3[%add3A, %dma_start3A_44, %dma_start3A_45] : memref<32x125x80xi32, #tpu.memory_space<hbm>> -> memref<1x125x80xi32, #tpu.memory_space<hbm>>
      %dma_start3A_47 = tpu.memref_squeeze %dma_start3A_46 : memref<1x125x80xi32, #tpu.memory_space<hbm>> -> memref<125x80xi32, #tpu.memory_space<hbm>>
      tpu.enqueue_dma source(%dma_start3A_47 : memref<125x80xi32, #tpu.memory_space<hbm>>) target(%arg6 : memref<125x80xi32, #tpu.memory_space<vmem>>) target_semaphore(%run_scoped3A_39 : memref<!tpu.dma_semaphore, #tpu.memory_space<semaphore_mem>>)
      %dma_wait3A_48 = arith.constant 0 : i32
      %dma_wait3A_49 = arith.constant 0 : i32
      %dma_wait3A_50 = tpu.memref_slice %arg3[%add3A, %dma_wait3A_48, %dma_wait3A_49] : memref<32x125x80xi32, #tpu.memory_space<hbm>> -> memref<1x125x80xi32, #tpu.memory_space<hbm>>
      %dma_wait3A_51 = tpu.memref_squeeze %dma_wait3A_50 : memref<1x125x80xi32, #tpu.memory_space<hbm>> -> memref<125x80xi32, #tpu.memory_space<hbm>>
      %dma_wait3A_52 = arith.constant 0 : i32
      %dma_wait3A_53 = arith.constant 0 : i32
      %dma_wait3A_54 = tpu.memref_slice %arg3[%add3A, %dma_wait3A_52, %dma_wait3A_53] : memref<32x125x80xi32, #tpu.memory_space<hbm>> -> memref<1x125x80xi32, #tpu.memory_space<hbm>>
      %dma_wait3A_55 = tpu.memref_squeeze %dma_wait3A_54 : memref<1x125x80xi32, #tpu.memory_space<hbm>> -> memref<125x80xi32, #tpu.memory_space<hbm>>
      tpu.wait_dma2 semaphore(%run_scoped3A_39 : memref<!tpu.dma_semaphore, #tpu.memory_space<semaphore_mem>>) src(%dma_wait3A_55 : memref<125x80xi32, #tpu.memory_space<hbm>>) dst(%arg6 : memref<125x80xi32, #tpu.memory_space<vmem>>)
      tpu.yield
    }) : () -> ()
    %scan3A = arith.constant 0 : i32
    %scan3A_3 = arith.constant 0 : i32
    %scan3A_4 = arith.constant 31 : i32
    %scan3A_5 = arith.addi %scan3A_3, %scan3A_4 : i32
    %scan3A_6 = arith.constant 1 : i32
    scf.for %scan3A_39 = %scan3A_3 to %scan3A_5 step %scan3A_6  : i32 {
      %mul3A_40 = arith.constant 4 : i32
      %mul3A_41 = arith.muli %scan3A_39, %mul3A_40 : i32
      %add3A_42 = arith.constant 0 : i32
      %add3A_43 = arith.addi %mul3A_41, %add3A_42 : i32
      %mul3A_44 = arith.constant 10000 : i32
      %mul3A_45 = arith.muli %add3A, %mul3A_44 : i32
      %mul3A_46 = arith.constant 80 : i32
      %mul3A_47 = arith.muli %add3A_43, %mul3A_46 : i32
      %add3A_48 = arith.addi %mul3A_45, %mul3A_47 : i32
      %multiple_of3A_49 = tpu.assume_multiple %add3A_48, 8 : i32
      %dma_start3A_50 = arith.constant 0 : i32
      %dma_start3A_51 = arith.constant 0 : i32
      %dma_start3A_52 = arith.constant 0 : i32
      %dma_start3A_53 = tpu.memref_slice %arg7[%dma_start3A_50, %dma_start3A_51, %dma_start3A_52] : memref<4x80x48xf32, #tpu.memory_space<vmem>> -> memref<1x80x48xf32, #tpu.memory_space<vmem>>
      %dma_start3A_54 = tpu.memref_squeeze %dma_start3A_53 : memref<1x80x48xf32, #tpu.memory_space<vmem>> -> memref<80x48xf32, #tpu.memory_space<vmem>>
      %dma_start3A_55 = arith.constant 0 : i32
      %dma_start3A_56 = tpu.memref_slice %arg2[%multiple_of3A_49, %dma_start3A_55] : memref<320000x48xf32, #tpu.memory_space<hbm>> -> memref<80x48xf32, #tpu.memory_space<hbm>>
      %dma_start3A_57 = arith.constant 0 : i32
      %dma_start3A_58 = arith.constant 0 : i32
      %dma_start3A_59 = tpu.memref_slice %arg7[%dma_start3A_50, %dma_start3A_57, %dma_start3A_58] : memref<4x80x48xf32, #tpu.memory_space<vmem>> -> memref<1x80x48xf32, #tpu.memory_space<vmem>>
      %dma_start3A_60 = tpu.memref_squeeze %dma_start3A_59 : memref<1x80x48xf32, #tpu.memory_space<vmem>> -> memref<80x48xf32, #tpu.memory_space<vmem>>
      %dma_start3A_61 = arith.constant 0 : i32
      %dma_start3A_62 = tpu.memref_slice %arg2[%multiple_of3A_49, %dma_start3A_61] : memref<320000x48xf32, #tpu.memory_space<hbm>> -> memref<80x48xf32, #tpu.memory_space<hbm>>
      tpu.enqueue_dma source(%dma_start3A_62 : memref<80x48xf32, #tpu.memory_space<hbm>>) target(%dma_start3A_60 : memref<80x48xf32, #tpu.memory_space<vmem>>) target_semaphore(%arg9 : memref<!tpu.dma_semaphore, #tpu.memory_space<semaphore_mem>>)
      %add3A_63 = arith.constant 1 : i32
      %add3A_64 = arith.addi %mul3A_41, %add3A_63 : i32
      %mul3A_65 = arith.constant 10000 : i32
      %mul3A_66 = arith.muli %add3A, %mul3A_65 : i32
      %mul3A_67 = arith.constant 80 : i32
      %mul3A_68 = arith.muli %add3A_64, %mul3A_67 : i32
      %add3A_69 = arith.addi %mul3A_66, %mul3A_68 : i32
      %multiple_of3A_70 = tpu.assume_multiple %add3A_69, 8 : i32
      %dma_start3A_71 = arith.constant 1 : i32
      %dma_start3A_72 = arith.constant 0 : i32
      %dma_start3A_73 = arith.constant 0 : i32
      %dma_start3A_74 = tpu.memref_slice %arg7[%dma_start3A_71, %dma_start3A_72, %dma_start3A_73] : memref<4x80x48xf32, #tpu.memory_space<vmem>> -> memref<1x80x48xf32, #tpu.memory_space<vmem>>
      %dma_start3A_75 = tpu.memref_squeeze %dma_start3A_74 : memref<1x80x48xf32, #tpu.memory_space<vmem>> -> memref<80x48xf32, #tpu.memory_space<vmem>>
      %dma_start3A_76 = arith.constant 0 : i32
      %dma_start3A_77 = tpu.memref_slice %arg2[%multiple_of3A_70, %dma_start3A_76] : memref<320000x48xf32, #tpu.memory_space<hbm>> -> memref<80x48xf32, #tpu.memory_space<hbm>>
      %dma_start3A_78 = arith.constant 0 : i32
      %dma_start3A_79 = arith.constant 0 : i32
      %dma_start3A_80 = tpu.memref_slice %arg7[%dma_start3A_71, %dma_start3A_78, %dma_start3A_79] : memref<4x80x48xf32, #tpu.memory_space<vmem>> -> memref<1x80x48xf32, #tpu.memory_space<vmem>>
      %dma_start3A_81 = tpu.memref_squeeze %dma_start3A_80 : memref<1x80x48xf32, #tpu.memory_space<vmem>> -> memref<80x48xf32, #tpu.memory_space<vmem>>
      %dma_start3A_82 = arith.constant 0 : i32
      %dma_start3A_83 = tpu.memref_slice %arg2[%multiple_of3A_70, %dma_start3A_82] : memref<320000x48xf32, #tpu.memory_space<hbm>> -> memref<80x48xf32, #tpu.memory_space<hbm>>
      tpu.enqueue_dma source(%dma_start3A_83 : memref<80x48xf32, #tpu.memory_space<hbm>>) target(%dma_start3A_81 : memref<80x48xf32, #tpu.memory_space<vmem>>) target_semaphore(%arg10 : memref<!tpu.dma_semaphore, #tpu.memory_space<semaphore_mem>>)
      %add3A_84 = arith.constant 2 : i32
      %add3A_85 = arith.addi %mul3A_41, %add3A_84 : i32
      %mul3A_86 = arith.constant 10000 : i32
      %mul3A_87 = arith.muli %add3A, %mul3A_86 : i32
      %mul3A_88 = arith.constant 80 : i32
      %mul3A_89 = arith.muli %add3A_85, %mul3A_88 : i32
      %add3A_90 = arith.addi %mul3A_87, %mul3A_89 : i32
      %multiple_of3A_91 = tpu.assume_multiple %add3A_90, 8 : i32
      %dma_start3A_92 = arith.constant 2 : i32
      %dma_start3A_93 = arith.constant 0 : i32
      %dma_start3A_94 = arith.constant 0 : i32
      %dma_start3A_95 = tpu.memref_slice %arg7[%dma_start3A_92, %dma_start3A_93, %dma_start3A_94] : memref<4x80x48xf32, #tpu.memory_space<vmem>> -> memref<1x80x48xf32, #tpu.memory_space<vmem>>
      %dma_start3A_96 = tpu.memref_squeeze %dma_start3A_95 : memref<1x80x48xf32, #tpu.memory_space<vmem>> -> memref<80x48xf32, #tpu.memory_space<vmem>>
      %dma_start3A_97 = arith.constant 0 : i32
      %dma_start3A_98 = tpu.memref_slice %arg2[%multiple_of3A_91, %dma_start3A_97] : memref<320000x48xf32, #tpu.memory_space<hbm>> -> memref<80x48xf32, #tpu.memory_space<hbm>>
      %dma_start3A_99 = arith.constant 0 : i32
      %dma_start3A_100 = arith.constant 0 : i32
      %dma_start3A_101 = tpu.memref_slice %arg7[%dma_start3A_92, %dma_start3A_99, %dma_start3A_100] : memref<4x80x48xf32, #tpu.memory_space<vmem>> -> memref<1x80x48xf32, #tpu.memory_space<vmem>>
      %dma_start3A_102 = tpu.memref_squeeze %dma_start3A_101 : memref<1x80x48xf32, #tpu.memory_space<vmem>> -> memref<80x48xf32, #tpu.memory_space<vmem>>
      %dma_start3A_103 = arith.constant 0 : i32
      %dma_start3A_104 = tpu.memref_slice %arg2[%multiple_of3A_91, %dma_start3A_103] : memref<320000x48xf32, #tpu.memory_space<hbm>> -> memref<80x48xf32, #tpu.memory_space<hbm>>
      tpu.enqueue_dma source(%dma_start3A_104 : memref<80x48xf32, #tpu.memory_space<hbm>>) target(%dma_start3A_102 : memref<80x48xf32, #tpu.memory_space<vmem>>) target_semaphore(%arg11 : memref<!tpu.dma_semaphore, #tpu.memory_space<semaphore_mem>>)
      %add3A_105 = arith.constant 3 : i32
      %add3A_106 = arith.addi %mul3A_41, %add3A_105 : i32
      %mul3A_107 = arith.constant 10000 : i32
      %mul3A_108 = arith.muli %add3A, %mul3A_107 : i32
      %mul3A_109 = arith.constant 80 : i32
      %mul3A_110 = arith.muli %add3A_106, %mul3A_109 : i32
      %add3A_111 = arith.addi %mul3A_108, %mul3A_110 : i32
      %multiple_of3A_112 = tpu.assume_multiple %add3A_111, 8 : i32
      %dma_start3A_113 = arith.constant 3 : i32
      %dma_start3A_114 = arith.constant 0 : i32
      %dma_start3A_115 = arith.constant 0 : i32
      %dma_start3A_116 = tpu.memref_slice %arg7[%dma_start3A_113, %dma_start3A_114, %dma_start3A_115] : memref<4x80x48xf32, #tpu.memory_space<vmem>> -> memref<1x80x48xf32, #tpu.memory_space<vmem>>
      %dma_start3A_117 = tpu.memref_squeeze %dma_start3A_116 : memref<1x80x48xf32, #tpu.memory_space<vmem>> -> memref<80x48xf32, #tpu.memory_space<vmem>>
      %dma_start3A_118 = arith.constant 0 : i32
      %dma_start3A_119 = tpu.memref_slice %arg2[%multiple_of3A_112, %dma_start3A_118] : memref<320000x48xf32, #tpu.memory_space<hbm>> -> memref<80x48xf32, #tpu.memory_space<hbm>>
      %dma_start3A_120 = arith.constant 0 : i32
      %dma_start3A_121 = arith.constant 0 : i32
      %dma_start3A_122 = tpu.memref_slice %arg7[%dma_start3A_113, %dma_start3A_120, %dma_start3A_121] : memref<4x80x48xf32, #tpu.memory_space<vmem>> -> memref<1x80x48xf32, #tpu.memory_space<vmem>>
      %dma_start3A_123 = tpu.memref_squeeze %dma_start3A_122 : memref<1x80x48xf32, #tpu.memory_space<vmem>> -> memref<80x48xf32, #tpu.memory_space<vmem>>
      %dma_start3A_124 = arith.constant 0 : i32
      %dma_start3A_125 = tpu.memref_slice %arg2[%multiple_of3A_112, %dma_start3A_124] : memref<320000x48xf32, #tpu.memory_space<hbm>> -> memref<80x48xf32, #tpu.memory_space<hbm>>
      tpu.enqueue_dma source(%dma_start3A_125 : memref<80x48xf32, #tpu.memory_space<hbm>>) target(%dma_start3A_123 : memref<80x48xf32, #tpu.memory_space<vmem>>) target_semaphore(%arg12 : memref<!tpu.dma_semaphore, #tpu.memory_space<semaphore_mem>>)
      %dma_wait3A_126 = arith.constant 0 : i32
      %dma_wait3A_127 = arith.constant 0 : i32
      %dma_wait3A_128 = arith.constant 0 : i32
      %dma_wait3A_129 = tpu.memref_slice %arg7[%dma_wait3A_126, %dma_wait3A_127, %dma_wait3A_128] : memref<4x80x48xf32, #tpu.memory_space<vmem>> -> memref<1x80x48xf32, #tpu.memory_space<vmem>>
      %dma_wait3A_130 = tpu.memref_squeeze %dma_wait3A_129 : memref<1x80x48xf32, #tpu.memory_space<vmem>> -> memref<80x48xf32, #tpu.memory_space<vmem>>
      %dma_wait3A_131 = arith.constant 0 : i32
      %dma_wait3A_132 = tpu.memref_slice %arg2[%multiple_of3A_49, %dma_wait3A_131] : memref<320000x48xf32, #tpu.memory_space<hbm>> -> memref<80x48xf32, #tpu.memory_space<hbm>>
      %dma_wait3A_133 = arith.constant 0 : i32
      %dma_wait3A_134 = arith.constant 0 : i32
      %dma_wait3A_135 = tpu.memref_slice %arg7[%dma_wait3A_126, %dma_wait3A_133, %dma_wait3A_134] : memref<4x80x48xf32, #tpu.memory_space<vmem>> -> memref<1x80x48xf32, #tpu.memory_space<vmem>>
      %dma_wait3A_136 = tpu.memref_squeeze %dma_wait3A_135 : memref<1x80x48xf32, #tpu.memory_space<vmem>> -> memref<80x48xf32, #tpu.memory_space<vmem>>
      %dma_wait3A_137 = arith.constant 0 : i32
      %dma_wait3A_138 = tpu.memref_slice %arg2[%multiple_of3A_49, %dma_wait3A_137] : memref<320000x48xf32, #tpu.memory_space<hbm>> -> memref<80x48xf32, #tpu.memory_space<hbm>>
      tpu.wait_dma2 semaphore(%arg9 : memref<!tpu.dma_semaphore, #tpu.memory_space<semaphore_mem>>) src(%dma_wait3A_138 : memref<80x48xf32, #tpu.memory_space<hbm>>) dst(%dma_wait3A_136 : memref<80x48xf32, #tpu.memory_space<vmem>>)
      %add3A_139 = arith.constant 0 : i32
      %add3A_140 = arith.addi %mul3A_41, %add3A_139 : i32
      %dma_start3A_141 = arith.constant 0 : i32
      %dma_start3A_142 = arith.constant 0 : i32
      %dma_start3A_143 = arith.constant 0 : i32
      %dma_start3A_144 = tpu.memref_slice %arg7[%dma_start3A_141, %dma_start3A_142, %dma_start3A_143] : memref<4x80x48xf32, #tpu.memory_space<vmem>> -> memref<1x80x48xf32, #tpu.memory_space<vmem>>
      %dma_start3A_145 = tpu.memref_squeeze %dma_start3A_144 : memref<1x80x48xf32, #tpu.memory_space<vmem>> -> memref<80x48xf32, #tpu.memory_space<vmem>>
      %dma_start3A_146 = arith.constant 0 : i32
      %dma_start3A_147 = tpu.memref_slice %arg6[%add3A_140, %dma_start3A_146] : memref<125x80xi32, #tpu.memory_space<vmem>> -> memref<1x80xi32, #tpu.memory_space<vmem>>
      %dma_start3A_148 = tpu.memref_squeeze %dma_start3A_147 : memref<1x80xi32, #tpu.memory_space<vmem>> -> memref<80xi32, #tpu.memory_space<vmem>>
      %dma_start3A_149 = arith.constant 0 : i32
      %dma_start3A_150 = arith.constant 0 : i32
      %dma_start3A_151 = tpu.memref_slice %arg8[%dma_start3A_149, %dma_start3A_150] : memref<10240x48xf32, #tpu.memory_space<vmem_shared>> -> memref<10240x48xf32, #tpu.memory_space<vmem_shared>>
      tpu.enqueue_indirect_dma source(%dma_start3A_145 : memref<80x48xf32, #tpu.memory_space<vmem>>) target(%dma_start3A_151 : memref<10240x48xf32, #tpu.memory_space<vmem_shared>>) offsets(%dma_start3A_148 : memref<80xi32, #tpu.memory_space<vmem>>) semaphore(%arg13 : memref<!tpu.dma_semaphore, #tpu.memory_space<semaphore_mem>>) {add = true}
      %dma_wait3A_152 = arith.constant 1 : i32
      %dma_wait3A_153 = arith.constant 0 : i32
      %dma_wait3A_154 = arith.constant 0 : i32
      %dma_wait3A_155 = tpu.memref_slice %arg7[%dma_wait3A_152, %dma_wait3A_153, %dma_wait3A_154] : memref<4x80x48xf32, #tpu.memory_space<vmem>> -> memref<1x80x48xf32, #tpu.memory_space<vmem>>
      %dma_wait3A_156 = tpu.memref_squeeze %dma_wait3A_155 : memref<1x80x48xf32, #tpu.memory_space<vmem>> -> memref<80x48xf32, #tpu.memory_space<vmem>>
      %dma_wait3A_157 = arith.constant 0 : i32
      %dma_wait3A_158 = tpu.memref_slice %arg2[%multiple_of3A_70, %dma_wait3A_157] : memref<320000x48xf32, #tpu.memory_space<hbm>> -> memref<80x48xf32, #tpu.memory_space<hbm>>
      %dma_wait3A_159 = arith.constant 0 : i32
      %dma_wait3A_160 = arith.constant 0 : i32
      %dma_wait3A_161 = tpu.memref_slice %arg7[%dma_wait3A_152, %dma_wait3A_159, %dma_wait3A_160] : memref<4x80x48xf32, #tpu.memory_space<vmem>> -> memref<1x80x48xf32, #tpu.memory_space<vmem>>
      %dma_wait3A_162 = tpu.memref_squeeze %dma_wait3A_161 : memref<1x80x48xf32, #tpu.memory_space<vmem>> -> memref<80x48xf32, #tpu.memory_space<vmem>>
      %dma_wait3A_163 = arith.constant 0 : i32
      %dma_wait3A_164 = tpu.memref_slice %arg2[%multiple_of3A_70, %dma_wait3A_163] : memref<320000x48xf32, #tpu.memory_space<hbm>> -> memref<80x48xf32, #tpu.memory_space<hbm>>
      tpu.wait_dma2 semaphore(%arg10 : memref<!tpu.dma_semaphore, #tpu.memory_space<semaphore_mem>>) src(%dma_wait3A_164 : memref<80x48xf32, #tpu.memory_space<hbm>>) dst(%dma_wait3A_162 : memref<80x48xf32, #tpu.memory_space<vmem>>)
      %add3A_165 = arith.constant 1 : i32
      %add3A_166 = arith.addi %mul3A_41, %add3A_165 : i32
      %dma_start3A_167 = arith.constant 1 : i32
      %dma_start3A_168 = arith.constant 0 : i32
      %dma_start3A_169 = arith.constant 0 : i32
      %dma_start3A_170 = tpu.memref_slice %arg7[%dma_start3A_167, %dma_start3A_168, %dma_start3A_169] : memref<4x80x48xf32, #tpu.memory_space<vmem>> -> memref<1x80x48xf32, #tpu.memory_space<vmem>>
      %dma_start3A_171 = tpu.memref_squeeze %dma_start3A_170 : memref<1x80x48xf32, #tpu.memory_space<vmem>> -> memref<80x48xf32, #tpu.memory_space<vmem>>
      %dma_start3A_172 = arith.constant 0 : i32
      %dma_start3A_173 = tpu.memref_slice %arg6[%add3A_166, %dma_start3A_172] : memref<125x80xi32, #tpu.memory_space<vmem>> -> memref<1x80xi32, #tpu.memory_space<vmem>>
      %dma_start3A_174 = tpu.memref_squeeze %dma_start3A_173 : memref<1x80xi32, #tpu.memory_space<vmem>> -> memref<80xi32, #tpu.memory_space<vmem>>
      %dma_start3A_175 = arith.constant 0 : i32
      %dma_start3A_176 = arith.constant 0 : i32
      %dma_start3A_177 = tpu.memref_slice %arg8[%dma_start3A_175, %dma_start3A_176] : memref<10240x48xf32, #tpu.memory_space<vmem_shared>> -> memref<10240x48xf32, #tpu.memory_space<vmem_shared>>
      tpu.enqueue_indirect_dma source(%dma_start3A_171 : memref<80x48xf32, #tpu.memory_space<vmem>>) target(%dma_start3A_177 : memref<10240x48xf32, #tpu.memory_space<vmem_shared>>) offsets(%dma_start3A_174 : memref<80xi32, #tpu.memory_space<vmem>>) semaphore(%arg14 : memref<!tpu.dma_semaphore, #tpu.memory_space<semaphore_mem>>) {add = true}
      %dma_wait3A_178 = arith.constant 2 : i32
      %dma_wait3A_179 = arith.constant 0 : i32
      %dma_wait3A_180 = arith.constant 0 : i32
      %dma_wait3A_181 = tpu.memref_slice %arg7[%dma_wait3A_178, %dma_wait3A_179, %dma_wait3A_180] : memref<4x80x48xf32, #tpu.memory_space<vmem>> -> memref<1x80x48xf32, #tpu.memory_space<vmem>>
      %dma_wait3A_182 = tpu.memref_squeeze %dma_wait3A_181 : memref<1x80x48xf32, #tpu.memory_space<vmem>> -> memref<80x48xf32, #tpu.memory_space<vmem>>
      %dma_wait3A_183 = arith.constant 0 : i32
      %dma_wait3A_184 = tpu.memref_slice %arg2[%multiple_of3A_91, %dma_wait3A_183] : memref<320000x48xf32, #tpu.memory_space<hbm>> -> memref<80x48xf32, #tpu.memory_space<hbm>>
      %dma_wait3A_185 = arith.constant 0 : i32
      %dma_wait3A_186 = arith.constant 0 : i32
      %dma_wait3A_187 = tpu.memref_slice %arg7[%dma_wait3A_178, %dma_wait3A_185, %dma_wait3A_186] : memref<4x80x48xf32, #tpu.memory_space<vmem>> -> memref<1x80x48xf32, #tpu.memory_space<vmem>>
      %dma_wait3A_188 = tpu.memref_squeeze %dma_wait3A_187 : memref<1x80x48xf32, #tpu.memory_space<vmem>> -> memref<80x48xf32, #tpu.memory_space<vmem>>
      %dma_wait3A_189 = arith.constant 0 : i32
      %dma_wait3A_190 = tpu.memref_slice %arg2[%multiple_of3A_91, %dma_wait3A_189] : memref<320000x48xf32, #tpu.memory_space<hbm>> -> memref<80x48xf32, #tpu.memory_space<hbm>>
      tpu.wait_dma2 semaphore(%arg11 : memref<!tpu.dma_semaphore, #tpu.memory_space<semaphore_mem>>) src(%dma_wait3A_190 : memref<80x48xf32, #tpu.memory_space<hbm>>) dst(%dma_wait3A_188 : memref<80x48xf32, #tpu.memory_space<vmem>>)
      %add3A_191 = arith.constant 2 : i32
      %add3A_192 = arith.addi %mul3A_41, %add3A_191 : i32
      %dma_start3A_193 = arith.constant 2 : i32
      %dma_start3A_194 = arith.constant 0 : i32
      %dma_start3A_195 = arith.constant 0 : i32
      %dma_start3A_196 = tpu.memref_slice %arg7[%dma_start3A_193, %dma_start3A_194, %dma_start3A_195] : memref<4x80x48xf32, #tpu.memory_space<vmem>> -> memref<1x80x48xf32, #tpu.memory_space<vmem>>
      %dma_start3A_197 = tpu.memref_squeeze %dma_start3A_196 : memref<1x80x48xf32, #tpu.memory_space<vmem>> -> memref<80x48xf32, #tpu.memory_space<vmem>>
      %dma_start3A_198 = arith.constant 0 : i32
      %dma_start3A_199 = tpu.memref_slice %arg6[%add3A_192, %dma_start3A_198] : memref<125x80xi32, #tpu.memory_space<vmem>> -> memref<1x80xi32, #tpu.memory_space<vmem>>
      %dma_start3A_200 = tpu.memref_squeeze %dma_start3A_199 : memref<1x80xi32, #tpu.memory_space<vmem>> -> memref<80xi32, #tpu.memory_space<vmem>>
      %dma_start3A_201 = arith.constant 0 : i32
      %dma_start3A_202 = arith.constant 0 : i32
      %dma_start3A_203 = tpu.memref_slice %arg8[%dma_start3A_201, %dma_start3A_202] : memref<10240x48xf32, #tpu.memory_space<vmem_shared>> -> memref<10240x48xf32, #tpu.memory_space<vmem_shared>>
      tpu.enqueue_indirect_dma source(%dma_start3A_197 : memref<80x48xf32, #tpu.memory_space<vmem>>) target(%dma_start3A_203 : memref<10240x48xf32, #tpu.memory_space<vmem_shared>>) offsets(%dma_start3A_200 : memref<80xi32, #tpu.memory_space<vmem>>) semaphore(%arg15 : memref<!tpu.dma_semaphore, #tpu.memory_space<semaphore_mem>>) {add = true}
      %dma_wait3A_204 = arith.constant 3 : i32
      %dma_wait3A_205 = arith.constant 0 : i32
      %dma_wait3A_206 = arith.constant 0 : i32
      %dma_wait3A_207 = tpu.memref_slice %arg7[%dma_wait3A_204, %dma_wait3A_205, %dma_wait3A_206] : memref<4x80x48xf32, #tpu.memory_space<vmem>> -> memref<1x80x48xf32, #tpu.memory_space<vmem>>
      %dma_wait3A_208 = tpu.memref_squeeze %dma_wait3A_207 : memref<1x80x48xf32, #tpu.memory_space<vmem>> -> memref<80x48xf32, #tpu.memory_space<vmem>>
      %dma_wait3A_209 = arith.constant 0 : i32
      %dma_wait3A_210 = tpu.memref_slice %arg2[%multiple_of3A_112, %dma_wait3A_209] : memref<320000x48xf32, #tpu.memory_space<hbm>> -> memref<80x48xf32, #tpu.memory_space<hbm>>
      %dma_wait3A_211 = arith.constant 0 : i32
      %dma_wait3A_212 = arith.constant 0 : i32
      %dma_wait3A_213 = tpu.memref_slice %arg7[%dma_wait3A_204, %dma_wait3A_211, %dma_wait3A_212] : memref<4x80x48xf32, #tpu.memory_space<vmem>> -> memref<1x80x48xf32, #tpu.memory_space<vmem>>
      %dma_wait3A_214 = tpu.memref_squeeze %dma_wait3A_213 : memref<1x80x48xf32, #tpu.memory_space<vmem>> -> memref<80x48xf32, #tpu.memory_space<vmem>>
      %dma_wait3A_215 = arith.constant 0 : i32
      %dma_wait3A_216 = tpu.memref_slice %arg2[%multiple_of3A_112, %dma_wait3A_215] : memref<320000x48xf32, #tpu.memory_space<hbm>> -> memref<80x48xf32, #tpu.memory_space<hbm>>
      tpu.wait_dma2 semaphore(%arg12 : memref<!tpu.dma_semaphore, #tpu.memory_space<semaphore_mem>>) src(%dma_wait3A_216 : memref<80x48xf32, #tpu.memory_space<hbm>>) dst(%dma_wait3A_214 : memref<80x48xf32, #tpu.memory_space<vmem>>)
      %add3A_217 = arith.constant 3 : i32
      %add3A_218 = arith.addi %mul3A_41, %add3A_217 : i32
      %dma_start3A_219 = arith.constant 3 : i32
      %dma_start3A_220 = arith.constant 0 : i32
      %dma_start3A_221 = arith.constant 0 : i32
      %dma_start3A_222 = tpu.memref_slice %arg7[%dma_start3A_219, %dma_start3A_220, %dma_start3A_221] : memref<4x80x48xf32, #tpu.memory_space<vmem>> -> memref<1x80x48xf32, #tpu.memory_space<vmem>>
      %dma_start3A_223 = tpu.memref_squeeze %dma_start3A_222 : memref<1x80x48xf32, #tpu.memory_space<vmem>> -> memref<80x48xf32, #tpu.memory_space<vmem>>
      %dma_start3A_224 = arith.constant 0 : i32
      %dma_start3A_225 = tpu.memref_slice %arg6[%add3A_218, %dma_start3A_224] : memref<125x80xi32, #tpu.memory_space<vmem>> -> memref<1x80xi32, #tpu.memory_space<vmem>>
      %dma_start3A_226 = tpu.memref_squeeze %dma_start3A_225 : memref<1x80xi32, #tpu.memory_space<vmem>> -> memref<80xi32, #tpu.memory_space<vmem>>
      %dma_start3A_227 = arith.constant 0 : i32
      %dma_start3A_228 = arith.constant 0 : i32
      %dma_start3A_229 = tpu.memref_slice %arg8[%dma_start3A_227, %dma_start3A_228] : memref<10240x48xf32, #tpu.memory_space<vmem_shared>> -> memref<10240x48xf32, #tpu.memory_space<vmem_shared>>
      tpu.enqueue_indirect_dma source(%dma_start3A_223 : memref<80x48xf32, #tpu.memory_space<vmem>>) target(%dma_start3A_229 : memref<10240x48xf32, #tpu.memory_space<vmem_shared>>) offsets(%dma_start3A_226 : memref<80xi32, #tpu.memory_space<vmem>>) semaphore(%arg16 : memref<!tpu.dma_semaphore, #tpu.memory_space<semaphore_mem>>) {add = true}
      %dma_wait3A_230 = arith.constant 0 : i32
      %dma_wait3A_231 = arith.constant 0 : i32
      %dma_wait3A_232 = arith.constant 0 : i32
      %dma_wait3A_233 = tpu.memref_slice %arg7[%dma_wait3A_230, %dma_wait3A_231, %dma_wait3A_232] : memref<4x80x48xf32, #tpu.memory_space<vmem>> -> memref<1x80x48xf32, #tpu.memory_space<vmem>>
      %dma_wait3A_234 = tpu.memref_squeeze %dma_wait3A_233 : memref<1x80x48xf32, #tpu.memory_space<vmem>> -> memref<80x48xf32, #tpu.memory_space<vmem>>
      %dma_wait3A_235 = arith.constant 0 : i32
      %dma_wait3A_236 = tpu.memref_slice %arg6[%add3A_140, %dma_wait3A_235] : memref<125x80xi32, #tpu.memory_space<vmem>> -> memref<1x80xi32, #tpu.memory_space<vmem>>
      %dma_wait3A_237 = tpu.memref_squeeze %dma_wait3A_236 : memref<1x80xi32, #tpu.memory_space<vmem>> -> memref<80xi32, #tpu.memory_space<vmem>>
      %dma_wait3A_238 = arith.constant 0 : i32
      %dma_wait3A_239 = arith.constant 0 : i32
      %dma_wait3A_240 = tpu.memref_slice %arg8[%dma_wait3A_238, %dma_wait3A_239] : memref<10240x48xf32, #tpu.memory_space<vmem_shared>> -> memref<10240x48xf32, #tpu.memory_space<vmem_shared>>
      tpu.wait_indirect_dma semaphore(%arg13 : memref<!tpu.dma_semaphore, #tpu.memory_space<semaphore_mem>>) src(%dma_wait3A_234 : memref<80x48xf32, #tpu.memory_space<vmem>>) dst(%dma_wait3A_240 : memref<10240x48xf32, #tpu.memory_space<vmem_shared>>)
      %dma_wait3A_241 = arith.constant 1 : i32
      %dma_wait3A_242 = arith.constant 0 : i32
      %dma_wait3A_243 = arith.constant 0 : i32
      %dma_wait3A_244 = tpu.memref_slice %arg7[%dma_wait3A_241, %dma_wait3A_242, %dma_wait3A_243] : memref<4x80x48xf32, #tpu.memory_space<vmem>> -> memref<1x80x48xf32, #tpu.memory_space<vmem>>
      %dma_wait3A_245 = tpu.memref_squeeze %dma_wait3A_244 : memref<1x80x48xf32, #tpu.memory_space<vmem>> -> memref<80x48xf32, #tpu.memory_space<vmem>>
      %dma_wait3A_246 = arith.constant 0 : i32
      %dma_wait3A_247 = tpu.memref_slice %arg6[%add3A_166, %dma_wait3A_246] : memref<125x80xi32, #tpu.memory_space<vmem>> -> memref<1x80xi32, #tpu.memory_space<vmem>>
      %dma_wait3A_248 = tpu.memref_squeeze %dma_wait3A_247 : memref<1x80xi32, #tpu.memory_space<vmem>> -> memref<80xi32, #tpu.memory_space<vmem>>
      %dma_wait3A_249 = arith.constant 0 : i32
      %dma_wait3A_250 = arith.constant 0 : i32
      %dma_wait3A_251 = tpu.memref_slice %arg8[%dma_wait3A_249, %dma_wait3A_250] : memref<10240x48xf32, #tpu.memory_space<vmem_shared>> -> memref<10240x48xf32, #tpu.memory_space<vmem_shared>>
      tpu.wait_indirect_dma semaphore(%arg14 : memref<!tpu.dma_semaphore, #tpu.memory_space<semaphore_mem>>) src(%dma_wait3A_245 : memref<80x48xf32, #tpu.memory_space<vmem>>) dst(%dma_wait3A_251 : memref<10240x48xf32, #tpu.memory_space<vmem_shared>>)
      %dma_wait3A_252 = arith.constant 2 : i32
      %dma_wait3A_253 = arith.constant 0 : i32
      %dma_wait3A_254 = arith.constant 0 : i32
      %dma_wait3A_255 = tpu.memref_slice %arg7[%dma_wait3A_252, %dma_wait3A_253, %dma_wait3A_254] : memref<4x80x48xf32, #tpu.memory_space<vmem>> -> memref<1x80x48xf32, #tpu.memory_space<vmem>>
      %dma_wait3A_256 = tpu.memref_squeeze %dma_wait3A_255 : memref<1x80x48xf32, #tpu.memory_space<vmem>> -> memref<80x48xf32, #tpu.memory_space<vmem>>
      %dma_wait3A_257 = arith.constant 0 : i32
      %dma_wait3A_258 = tpu.memref_slice %arg6[%add3A_192, %dma_wait3A_257] : memref<125x80xi32, #tpu.memory_space<vmem>> -> memref<1x80xi32, #tpu.memory_space<vmem>>
      %dma_wait3A_259 = tpu.memref_squeeze %dma_wait3A_258 : memref<1x80xi32, #tpu.memory_space<vmem>> -> memref<80xi32, #tpu.memory_space<vmem>>
      %dma_wait3A_260 = arith.constant 0 : i32
      %dma_wait3A_261 = arith.constant 0 : i32
      %dma_wait3A_262 = tpu.memref_slice %arg8[%dma_wait3A_260, %dma_wait3A_261] : memref<10240x48xf32, #tpu.memory_space<vmem_shared>> -> memref<10240x48xf32, #tpu.memory_space<vmem_shared>>
      tpu.wait_indirect_dma semaphore(%arg15 : memref<!tpu.dma_semaphore, #tpu.memory_space<semaphore_mem>>) src(%dma_wait3A_256 : memref<80x48xf32, #tpu.memory_space<vmem>>) dst(%dma_wait3A_262 : memref<10240x48xf32, #tpu.memory_space<vmem_shared>>)
      %dma_wait3A_263 = arith.constant 3 : i32
      %dma_wait3A_264 = arith.constant 0 : i32
      %dma_wait3A_265 = arith.constant 0 : i32
      %dma_wait3A_266 = tpu.memref_slice %arg7[%dma_wait3A_263, %dma_wait3A_264, %dma_wait3A_265] : memref<4x80x48xf32, #tpu.memory_space<vmem>> -> memref<1x80x48xf32, #tpu.memory_space<vmem>>
      %dma_wait3A_267 = tpu.memref_squeeze %dma_wait3A_266 : memref<1x80x48xf32, #tpu.memory_space<vmem>> -> memref<80x48xf32, #tpu.memory_space<vmem>>
      %dma_wait3A_268 = arith.constant 0 : i32
      %dma_wait3A_269 = tpu.memref_slice %arg6[%add3A_218, %dma_wait3A_268] : memref<125x80xi32, #tpu.memory_space<vmem>> -> memref<1x80xi32, #tpu.memory_space<vmem>>
      %dma_wait3A_270 = tpu.memref_squeeze %dma_wait3A_269 : memref<1x80xi32, #tpu.memory_space<vmem>> -> memref<80xi32, #tpu.memory_space<vmem>>
      %dma_wait3A_271 = arith.constant 0 : i32
      %dma_wait3A_272 = arith.constant 0 : i32
      %dma_wait3A_273 = tpu.memref_slice %arg8[%dma_wait3A_271, %dma_wait3A_272] : memref<10240x48xf32, #tpu.memory_space<vmem_shared>> -> memref<10240x48xf32, #tpu.memory_space<vmem_shared>>
      tpu.wait_indirect_dma semaphore(%arg16 : memref<!tpu.dma_semaphore, #tpu.memory_space<semaphore_mem>>) src(%dma_wait3A_267 : memref<80x48xf32, #tpu.memory_space<vmem>>) dst(%dma_wait3A_273 : memref<10240x48xf32, #tpu.memory_space<vmem_shared>>)
    }
    %scan3A_7 = arith.constant 31 : i32
    %mul3A_8 = arith.constant 10000 : i32
    %mul3A_9 = arith.muli %add3A, %mul3A_8 : i32
    %add3A_10 = arith.constant 9920 : i32
    %add3A_11 = arith.addi %mul3A_9, %add3A_10 : i32
    %multiple_of3A_12 = tpu.assume_multiple %add3A_11, 8 : i32
    %dma_start3A = arith.constant 0 : i32
    %dma_start3A_13 = arith.constant 0 : i32
    %dma_start3A_14 = arith.constant 0 : i32
    %dma_start3A_15 = tpu.memref_slice %arg7[%dma_start3A, %dma_start3A_13, %dma_start3A_14] : memref<4x80x48xf32, #tpu.memory_space<vmem>> -> memref<1x80x48xf32, #tpu.memory_space<vmem>>
    %dma_start3A_16 = tpu.memref_squeeze %dma_start3A_15 : memref<1x80x48xf32, #tpu.memory_space<vmem>> -> memref<80x48xf32, #tpu.memory_space<vmem>>
    %dma_start3A_17 = arith.constant 0 : i32
    %dma_start3A_18 = tpu.memref_slice %arg2[%multiple_of3A_12, %dma_start3A_17] : memref<320000x48xf32, #tpu.memory_space<hbm>> -> memref<80x48xf32, #tpu.memory_space<hbm>>
    %dma_start3A_19 = arith.constant 0 : i32
    %dma_start3A_20 = arith.constant 0 : i32
    %dma_start3A_21 = tpu.memref_slice %arg7[%dma_start3A, %dma_start3A_19, %dma_start3A_20] : memref<4x80x48xf32, #tpu.memory_space<vmem>> -> memref<1x80x48xf32, #tpu.memory_space<vmem>>
    %dma_start3A_22 = tpu.memref_squeeze %dma_start3A_21 : memref<1x80x48xf32, #tpu.memory_space<vmem>> -> memref<80x48xf32, #tpu.memory_space<vmem>>
    %dma_start3A_23 = arith.constant 0 : i32
    %dma_start3A_24 = tpu.memref_slice %arg2[%multiple_of3A_12, %dma_start3A_23] : memref<320000x48xf32, #tpu.memory_space<hbm>> -> memref<80x48xf32, #tpu.memory_space<hbm>>
    tpu.enqueue_dma source(%dma_start3A_24 : memref<80x48xf32, #tpu.memory_space<hbm>>) target(%dma_start3A_22 : memref<80x48xf32, #tpu.memory_space<vmem>>) target_semaphore(%arg9 : memref<!tpu.dma_semaphore, #tpu.memory_space<semaphore_mem>>)
    %dma_wait3A = arith.constant 0 : i32
    %dma_wait3A_25 = arith.constant 0 : i32
    %dma_wait3A_26 = arith.constant 0 : i32
    %dma_wait3A_27 = tpu.memref_slice %arg7[%dma_wait3A, %dma_wait3A_25, %dma_wait3A_26] : memref<4x80x48xf32, #tpu.memory_space<vmem>> -> memref<1x80x48xf32, #tpu.memory_space<vmem>>
    %dma_wait3A_28 = tpu.memref_squeeze %dma_wait3A_27 : memref<1x80x48xf32, #tpu.memory_space<vmem>> -> memref<80x48xf32, #tpu.memory_space<vmem>>
    %dma_wait3A_29 = arith.constant 0 : i32
    %dma_wait3A_30 = tpu.memref_slice %arg2[%multiple_of3A_12, %dma_wait3A_29] : memref<320000x48xf32, #tpu.memory_space<hbm>> -> memref<80x48xf32, #tpu.memory_space<hbm>>
    %dma_wait3A_31 = arith.constant 0 : i32
    %dma_wait3A_32 = arith.constant 0 : i32
    %dma_wait3A_33 = tpu.memref_slice %arg7[%dma_wait3A, %dma_wait3A_31, %dma_wait3A_32] : memref<4x80x48xf32, #tpu.memory_space<vmem>> -> memref<1x80x48xf32, #tpu.memory_space<vmem>>
    %dma_wait3A_34 = tpu.memref_squeeze %dma_wait3A_33 : memref<1x80x48xf32, #tpu.memory_space<vmem>> -> memref<80x48xf32, #tpu.memory_space<vmem>>
    %dma_wait3A_35 = arith.constant 0 : i32
    %dma_wait3A_36 = tpu.memref_slice %arg2[%multiple_of3A_12, %dma_wait3A_35] : memref<320000x48xf32, #tpu.memory_space<hbm>> -> memref<80x48xf32, #tpu.memory_space<hbm>>
    tpu.wait_dma2 semaphore(%arg9 : memref<!tpu.dma_semaphore, #tpu.memory_space<semaphore_mem>>) src(%dma_wait3A_36 : memref<80x48xf32, #tpu.memory_space<hbm>>) dst(%dma_wait3A_34 : memref<80x48xf32, #tpu.memory_space<vmem>>)
    %run_scoped3A = arith.constant 0 : i32
    %run_scoped3A_37 = arith.constant 124 : i32
    "tpu.region"() ({
      %run_scoped3A_39 = tpu.sem_alloc : memref<!tpu.dma_semaphore, #tpu.memory_space<semaphore_mem>>
      %dma_start3A_40 = arith.constant 0 : i32
      %dma_start3A_41 = arith.constant 0 : i32
      %dma_start3A_42 = tpu.memref_slice %arg7[%run_scoped3A, %dma_start3A_40, %dma_start3A_41] : memref<4x80x48xf32, #tpu.memory_space<vmem>> -> memref<1x80x48xf32, #tpu.memory_space<vmem>>
      %dma_start3A_43 = tpu.memref_squeeze %dma_start3A_42 : memref<1x80x48xf32, #tpu.memory_space<vmem>> -> memref<80x48xf32, #tpu.memory_space<vmem>>
      %dma_start3A_44 = arith.constant 0 : i32
      %dma_start3A_45 = tpu.memref_slice %arg6[%run_scoped3A_37, %dma_start3A_44] : memref<125x80xi32, #tpu.memory_space<vmem>> -> memref<1x80xi32, #tpu.memory_space<vmem>>
      %dma_start3A_46 = tpu.memref_squeeze %dma_start3A_45 : memref<1x80xi32, #tpu.memory_space<vmem>> -> memref<80xi32, #tpu.memory_space<vmem>>
      %dma_start3A_47 = arith.constant 0 : i32
      %dma_start3A_48 = arith.constant 0 : i32
      %dma_start3A_49 = tpu.memref_slice %arg8[%dma_start3A_47, %dma_start3A_48] : memref<10240x48xf32, #tpu.memory_space<vmem_shared>> -> memref<10240x48xf32, #tpu.memory_space<vmem_shared>>
      tpu.enqueue_indirect_dma source(%dma_start3A_43 : memref<80x48xf32, #tpu.memory_space<vmem>>) target(%dma_start3A_49 : memref<10240x48xf32, #tpu.memory_space<vmem_shared>>) offsets(%dma_start3A_46 : memref<80xi32, #tpu.memory_space<vmem>>) semaphore(%run_scoped3A_39 : memref<!tpu.dma_semaphore, #tpu.memory_space<semaphore_mem>>) {add = true}
      %dma_wait3A_50 = arith.constant 0 : i32
      %dma_wait3A_51 = arith.constant 0 : i32
      %dma_wait3A_52 = tpu.memref_slice %arg7[%run_scoped3A, %dma_wait3A_50, %dma_wait3A_51] : memref<4x80x48xf32, #tpu.memory_space<vmem>> -> memref<1x80x48xf32, #tpu.memory_space<vmem>>
      %dma_wait3A_53 = tpu.memref_squeeze %dma_wait3A_52 : memref<1x80x48xf32, #tpu.memory_space<vmem>> -> memref<80x48xf32, #tpu.memory_space<vmem>>
      %dma_wait3A_54 = arith.constant 0 : i32
      %dma_wait3A_55 = tpu.memref_slice %arg6[%run_scoped3A_37, %dma_wait3A_54] : memref<125x80xi32, #tpu.memory_space<vmem>> -> memref<1x80xi32, #tpu.memory_space<vmem>>
      %dma_wait3A_56 = tpu.memref_squeeze %dma_wait3A_55 : memref<1x80xi32, #tpu.memory_space<vmem>> -> memref<80xi32, #tpu.memory_space<vmem>>
      %dma_wait3A_57 = arith.constant 0 : i32
      %dma_wait3A_58 = arith.constant 0 : i32
      %dma_wait3A_59 = tpu.memref_slice %arg8[%dma_wait3A_57, %dma_wait3A_58] : memref<10240x48xf32, #tpu.memory_space<vmem_shared>> -> memref<10240x48xf32, #tpu.memory_space<vmem_shared>>
      tpu.wait_indirect_dma semaphore(%run_scoped3A_39 : memref<!tpu.dma_semaphore, #tpu.memory_space<semaphore_mem>>) src(%dma_wait3A_53 : memref<80x48xf32, #tpu.memory_space<vmem>>) dst(%dma_wait3A_59 : memref<10240x48xf32, #tpu.memory_space<vmem_shared>>)
      tpu.yield
    }) : () -> ()
    %barrier3A_38 = arith.constant 0 : index
    tpu.barrier barrier_id(%barrier3A_38)
    "tpu.region"() ({
      %run_scoped3A_39 = tpu.sem_alloc : memref<!tpu.dma_semaphore, #tpu.memory_space<semaphore_mem>>
      %dma_start3A_40 = arith.constant 0 : i32
      %dma_start3A_41 = tpu.memref_slice %arg5[%arg0, %multiple_of3A, %dma_start3A_40] : memref<2x10240x48xf32, #tpu.memory_space<hbm>> -> memref<1x640x48xf32, #tpu.memory_space<hbm>>
      %dma_start3A_42 = tpu.memref_squeeze %dma_start3A_41 : memref<1x640x48xf32, #tpu.memory_space<hbm>> -> memref<640x48xf32, #tpu.memory_space<hbm>>
      %dma_start3A_43 = arith.constant 0 : i32
      %dma_start3A_44 = tpu.memref_slice %arg8[%multiple_of3A, %dma_start3A_43] : memref<10240x48xf32, #tpu.memory_space<vmem_shared>> -> memref<640x48xf32, #tpu.memory_space<vmem_shared>>
      tpu.enqueue_dma source(%dma_start3A_44 : memref<640x48xf32, #tpu.memory_space<vmem_shared>>) target(%dma_start3A_42 : memref<640x48xf32, #tpu.memory_space<hbm>>) target_semaphore(%run_scoped3A_39 : memref<!tpu.dma_semaphore, #tpu.memory_space<semaphore_mem>>)
      %dma_wait3A_45 = arith.constant 0 : i32
      %dma_wait3A_46 = tpu.memref_slice %arg5[%arg0, %multiple_of3A, %dma_wait3A_45] : memref<2x10240x48xf32, #tpu.memory_space<hbm>> -> memref<1x640x48xf32, #tpu.memory_space<hbm>>
      %dma_wait3A_47 = tpu.memref_squeeze %dma_wait3A_46 : memref<1x640x48xf32, #tpu.memory_space<hbm>> -> memref<640x48xf32, #tpu.memory_space<hbm>>
      %dma_wait3A_48 = arith.constant 0 : i32
      %dma_wait3A_49 = tpu.memref_slice %arg8[%multiple_of3A, %dma_wait3A_48] : memref<10240x48xf32, #tpu.memory_space<vmem_shared>> -> memref<640x48xf32, #tpu.memory_space<vmem_shared>>
      tpu.wait_dma2 semaphore(%run_scoped3A_39 : memref<!tpu.dma_semaphore, #tpu.memory_space<semaphore_mem>>) src(%dma_wait3A_49 : memref<640x48xf32, #tpu.memory_space<vmem_shared>>) dst(%dma_wait3A_47 : memref<640x48xf32, #tpu.memory_space<hbm>>)
      tpu.yield
    }) : () -> ()
    return
  }
}

module attributes {stable_mosaic.version = 14 : i64} {
  func.func @_tp_body(%arg0: i32, %arg1: memref<3200x64xf32, #tpu.memory_space<vmem>>, %arg2: memref<16x3200xf32, #tpu.memory_space<vmem>>, %arg3: memref<4x3200xf32, #tpu.memory_space<vmem>>, %arg4: memref<64x64xf32, #tpu.memory_space<vmem>>, %arg5: memref<1x64xf32, #tpu.memory_space<vmem>>, %arg6: memref<64x128xf32, #tpu.memory_space<vmem>>, %arg7: memref<1x128xf32, #tpu.memory_space<vmem>>, %arg8: memref<16x128xf32, #tpu.memory_space<vmem>>, %arg9: memref<128x64xf32, #tpu.memory_space<vmem>>, %arg10: memref<4x64xf32, #tpu.memory_space<vmem>>, %arg11: memref<64x48xf32, #tpu.memory_space<vmem>>, %arg12: memref<1x48xf32, #tpu.memory_space<vmem>>, %arg13: memref<3200x48xf32, #tpu.memory_space<vmem>>) attributes {dimension_semantics = [#tpu.dimension_semantics<arbitrary>], iteration_bounds = array<i64: 100>, scalar_prefetch = 0 : i64, scratch_operands = 0 : i64, tpu.core_type = #tpu.core_type<tc>, window_params = [{transform_indices = @transform_0, window_bounds = array<i64: 3200, 64>}, {transform_indices = @transform_1, window_bounds = array<i64: 16, 3200>}, {transform_indices = @transform_2, window_bounds = array<i64: 4, 3200>}, {pipeline_mode = #tpu.pipeline_mode<synchronous>, transform_indices = @transform_3, window_bounds = array<i64: 64, 64>}, {pipeline_mode = #tpu.pipeline_mode<synchronous>, transform_indices = @transform_4, window_bounds = array<i64: 1, 64>}, {pipeline_mode = #tpu.pipeline_mode<synchronous>, transform_indices = @transform_5, window_bounds = array<i64: 64, 128>}, {pipeline_mode = #tpu.pipeline_mode<synchronous>, transform_indices = @transform_6, window_bounds = array<i64: 1, 128>}, {pipeline_mode = #tpu.pipeline_mode<synchronous>, transform_indices = @transform_7, window_bounds = array<i64: 16, 128>}, {pipeline_mode = #tpu.pipeline_mode<synchronous>, transform_indices = @transform_8, window_bounds = array<i64: 128, 64>}, {pipeline_mode = #tpu.pipeline_mode<synchronous>, transform_indices = @transform_9, window_bounds = array<i64: 4, 64>}, {pipeline_mode = #tpu.pipeline_mode<synchronous>, transform_indices = @transform_10, window_bounds = array<i64: 64, 48>}, {pipeline_mode = #tpu.pipeline_mode<synchronous>, transform_indices = @transform_11, window_bounds = array<i64: 1, 48>}, {transform_indices = @transform_12, window_bounds = array<i64: 3200, 48>}]} {
    %get3A = arith.constant 0 : index
    %get3A_0 = arith.constant 0 : index
    %get3A_1 = vector.load %arg1[%get3A, %get3A_0] : memref<3200x64xf32, #tpu.memory_space<vmem>>, vector<3200x64xf32>
    %convert_element_type3A = arith.truncf %get3A_1 : vector<3200x64xf32> to vector<3200x64xbf16>
    %get3A_2 = arith.constant 0 : index
    %get3A_3 = arith.constant 0 : index
    %get3A_4 = vector.load %arg4[%get3A_2, %get3A_3] : memref<64x64xf32, #tpu.memory_space<vmem>>, vector<64x64xf32>
    %convert_element_type3A_5 = arith.truncf %get3A_4 : vector<64x64xf32> to vector<64x64xbf16>
    %dot_general3A = arith.constant dense<0.000000e+00> : vector<3200x64xf32>
    %dot_general3A_6 = tpu.matmul %convert_element_type3A, %convert_element_type3A_5, %dot_general3A {dimension_numbers = #tpu.dot_dimension_numbers<[1], [0], [0], [1], [0, 0, 1, 1], [], []>, transpose_lhs_hint = false} : vector<3200x64xbf16>, vector<64x64xbf16>, vector<3200x64xf32> -> vector<3200x64xf32>
    %get3A_7 = arith.constant 0 : index
    %get3A_8 = arith.constant 0 : index
    %get3A_9 = vector.load %arg5[%get3A_7, %get3A_8] : memref<1x64xf32, #tpu.memory_space<vmem>>, vector<1x64xf32>
    %add3A = vector.broadcast %get3A_9 : vector<1x64xf32> to vector<3200x64xf32>
    %add3A_10 = arith.addf %dot_general3A_6, %add3A : vector<3200x64xf32>
    %exp3A = math.exp %add3A_10 : vector<3200x64xf32>
    %add3A_11 = arith.constant 1.000000e+00 : f32
    %add3A_12 = vector.broadcast %add3A_11 : f32 to vector<3200x64xf32>
    %add3A_13 = arith.addf %add3A_12, %exp3A : vector<3200x64xf32>
    %log3A = math.log %add3A_13 : vector<3200x64xf32>
    %convert_element_type3A_14 = arith.truncf %log3A : vector<3200x64xf32> to vector<3200x64xbf16>
    %get3A_15 = arith.constant 0 : index
    %get3A_16 = arith.constant 0 : index
    %get3A_17 = vector.load %arg6[%get3A_15, %get3A_16] : memref<64x128xf32, #tpu.memory_space<vmem>>, vector<64x128xf32>
    %convert_element_type3A_18 = arith.truncf %get3A_17 : vector<64x128xf32> to vector<64x128xbf16>
    %dot_general3A_19 = arith.constant dense<0.000000e+00> : vector<3200x128xf32>
    %dot_general3A_20 = tpu.matmul %convert_element_type3A_14, %convert_element_type3A_18, %dot_general3A_19 {dimension_numbers = #tpu.dot_dimension_numbers<[1], [0], [0], [1], [0, 0, 1, 1], [], []>, transpose_lhs_hint = false} : vector<3200x64xbf16>, vector<64x128xbf16>, vector<3200x128xf32> -> vector<3200x128xf32>
    %get3A_21 = arith.constant 0 : index
    %get3A_22 = arith.constant 0 : index
    %get3A_23 = vector.load %arg7[%get3A_21, %get3A_22] : memref<1x128xf32, #tpu.memory_space<vmem>>, vector<1x128xf32>
    %add3A_24 = vector.broadcast %get3A_23 : vector<1x128xf32> to vector<3200x128xf32>
    %add3A_25 = arith.addf %dot_general3A_20, %add3A_24 : vector<3200x128xf32>
    %get3A_26 = arith.constant 0 : index
    %get3A_27 = arith.constant 0 : index
    %get3A_28 = vector.load %arg2[%get3A_26, %get3A_27] : memref<16x3200xf32, #tpu.memory_space<vmem>>, vector<16x3200xf32>
    %get3A_29 = arith.constant 0 : index
    %get3A_30 = arith.constant 0 : index
    %get3A_31 = vector.load %arg8[%get3A_29, %get3A_30] : memref<16x128xf32, #tpu.memory_space<vmem>>, vector<16x128xf32>
    %dot_general3A_32 = arith.constant dense<0.000000e+00> : vector<3200x128xf32>
    %dot_general3A_33 = tpu.matmul %get3A_28, %get3A_31, %dot_general3A_32 {dimension_numbers = #tpu.dot_dimension_numbers<[0], [0], [1], [1], [0, 1, 1, 1], [], []>, transpose_lhs_hint = false} : vector<16x3200xf32>, vector<16x128xf32>, vector<3200x128xf32> -> vector<3200x128xf32>
    %mul3A = arith.mulf %add3A_25, %dot_general3A_33 : vector<3200x128xf32>
    %convert_element_type3A_34 = arith.truncf %mul3A : vector<3200x128xf32> to vector<3200x128xbf16>
    %get3A_35 = arith.constant 0 : index
    %get3A_36 = arith.constant 0 : index
    %get3A_37 = vector.load %arg9[%get3A_35, %get3A_36] : memref<128x64xf32, #tpu.memory_space<vmem>>, vector<128x64xf32>
    %convert_element_type3A_38 = arith.truncf %get3A_37 : vector<128x64xf32> to vector<128x64xbf16>
    %dot_general3A_39 = arith.constant dense<0.000000e+00> : vector<3200x64xf32>
    %dot_general3A_40 = tpu.matmul %convert_element_type3A_34, %convert_element_type3A_38, %dot_general3A_39 {dimension_numbers = #tpu.dot_dimension_numbers<[1], [0], [0], [1], [0, 0, 1, 1], [], []>, transpose_lhs_hint = false} : vector<3200x128xbf16>, vector<128x64xbf16>, vector<3200x64xf32> -> vector<3200x64xf32>
    %get3A_41 = arith.constant 0 : index
    %get3A_42 = arith.constant 0 : index
    %get3A_43 = vector.load %arg3[%get3A_41, %get3A_42] : memref<4x3200xf32, #tpu.memory_space<vmem>>, vector<4x3200xf32>
    %get3A_44 = arith.constant 0 : index
    %get3A_45 = arith.constant 0 : index
    %get3A_46 = vector.load %arg10[%get3A_44, %get3A_45] : memref<4x64xf32, #tpu.memory_space<vmem>>, vector<4x64xf32>
    %dot_general3A_47 = arith.constant dense<0.000000e+00> : vector<3200x64xf32>
    %dot_general3A_48 = tpu.matmul %get3A_43, %get3A_46, %dot_general3A_47 {dimension_numbers = #tpu.dot_dimension_numbers<[0], [0], [1], [1], [0, 1, 1, 1], [], []>, transpose_lhs_hint = false} : vector<4x3200xf32>, vector<4x64xf32>, vector<3200x64xf32> -> vector<3200x64xf32>
    %mul3A_49 = arith.mulf %dot_general3A_40, %dot_general3A_48 : vector<3200x64xf32>
    %convert_element_type3A_50 = arith.truncf %mul3A_49 : vector<3200x64xf32> to vector<3200x64xbf16>
    %get3A_51 = arith.constant 0 : index
    %get3A_52 = arith.constant 0 : index
    %get3A_53 = vector.load %arg11[%get3A_51, %get3A_52] : memref<64x48xf32, #tpu.memory_space<vmem>>, vector<64x48xf32>
    %convert_element_type3A_54 = arith.truncf %get3A_53 : vector<64x48xf32> to vector<64x48xbf16>
    %dot_general3A_55 = arith.constant dense<0.000000e+00> : vector<3200x48xf32>
    %dot_general3A_56 = tpu.matmul %convert_element_type3A_50, %convert_element_type3A_54, %dot_general3A_55 {dimension_numbers = #tpu.dot_dimension_numbers<[1], [0], [0], [1], [0, 0, 1, 1], [], []>, transpose_lhs_hint = false} : vector<3200x64xbf16>, vector<64x48xbf16>, vector<3200x48xf32> -> vector<3200x48xf32>
    %get3A_57 = arith.constant 0 : index
    %get3A_58 = arith.constant 0 : index
    %get3A_59 = vector.load %arg12[%get3A_57, %get3A_58] : memref<1x48xf32, #tpu.memory_space<vmem>>, vector<1x48xf32>
    %add3A_60 = vector.broadcast %get3A_59 : vector<1x48xf32> to vector<3200x48xf32>
    %add3A_61 = arith.addf %dot_general3A_56, %add3A_60 : vector<3200x48xf32>
    %swap3A = arith.constant 0 : index
    %swap3A_62 = arith.constant 0 : index
    %swap3A_63 = vector.load %arg13[%swap3A, %swap3A_62] : memref<3200x48xf32, #tpu.memory_space<vmem>>, vector<3200x48xf32>
    tpu.vector_store %arg13[%swap3A, %swap3A_62], %add3A_61 {strides = array<i32>} : memref<3200x48xf32, #tpu.memory_space<vmem>>, vector<3200x48xf32>,
    return
  }
  func.func @transform_0(%arg0: i32) -> (i32, i32) {
    %c0_i32 = arith.constant 0 : i32
    %c0_i32_0 = arith.constant 0 : i32
    return %arg0, %c0_i32 : i32, i32
  }
  func.func @transform_1(%arg0: i32) -> (i32, i32) {
    %c0_i32 = arith.constant 0 : i32
    %c0_i32_0 = arith.constant 0 : i32
    return %c0_i32, %arg0 : i32, i32
  }
  func.func @transform_2(%arg0: i32) -> (i32, i32) {
    %c0_i32 = arith.constant 0 : i32
    %c0_i32_0 = arith.constant 0 : i32
    return %c0_i32, %arg0 : i32, i32
  }
  func.func @transform_3(%arg0: i32) -> (i32, i32) {
    %c0_i32 = arith.constant 0 : i32
    %c0_i32_0 = arith.constant 0 : i32
    %c0_i32_1 = arith.constant 0 : i32
    return %c0_i32, %c0_i32_0 : i32, i32
  }
  func.func @transform_4(%arg0: i32) -> (i32, i32) {
    %c0_i32 = arith.constant 0 : i32
    %c0_i32_0 = arith.constant 0 : i32
    %c0_i32_1 = arith.constant 0 : i32
    return %c0_i32, %c0_i32_0 : i32, i32
  }
  func.func @transform_5(%arg0: i32) -> (i32, i32) {
    %c0_i32 = arith.constant 0 : i32
    %c0_i32_0 = arith.constant 0 : i32
    %c0_i32_1 = arith.constant 0 : i32
    return %c0_i32, %c0_i32_0 : i32, i32
  }
  func.func @transform_6(%arg0: i32) -> (i32, i32) {
    %c0_i32 = arith.constant 0 : i32
    %c0_i32_0 = arith.constant 0 : i32
    %c0_i32_1 = arith.constant 0 : i32
    return %c0_i32, %c0_i32_0 : i32, i32
  }
  func.func @transform_7(%arg0: i32) -> (i32, i32) {
    %c0_i32 = arith.constant 0 : i32
    %c0_i32_0 = arith.constant 0 : i32
    %c0_i32_1 = arith.constant 0 : i32
    return %c0_i32, %c0_i32_0 : i32, i32
  }
  func.func @transform_8(%arg0: i32) -> (i32, i32) {
    %c0_i32 = arith.constant 0 : i32
    %c0_i32_0 = arith.constant 0 : i32
    %c0_i32_1 = arith.constant 0 : i32
    return %c0_i32, %c0_i32_0 : i32, i32
  }
  func.func @transform_9(%arg0: i32) -> (i32, i32) {
    %c0_i32 = arith.constant 0 : i32
    %c0_i32_0 = arith.constant 0 : i32
    %c0_i32_1 = arith.constant 0 : i32
    return %c0_i32, %c0_i32_0 : i32, i32
  }
  func.func @transform_10(%arg0: i32) -> (i32, i32) {
    %c0_i32 = arith.constant 0 : i32
    %c0_i32_0 = arith.constant 0 : i32
    %c0_i32_1 = arith.constant 0 : i32
    return %c0_i32, %c0_i32_0 : i32, i32
  }
  func.func @transform_11(%arg0: i32) -> (i32, i32) {
    %c0_i32 = arith.constant 0 : i32
    %c0_i32_0 = arith.constant 0 : i32
    %c0_i32_1 = arith.constant 0 : i32
    return %c0_i32, %c0_i32_0 : i32, i32
  }
  func.func @transform_12(%arg0: i32) -> (i32, i32) {
    %c0_i32 = arith.constant 0 : i32
    %c0_i32_0 = arith.constant 0 : i32
    return %arg0, %c0_i32 : i32, i32
  }
}

module attributes {stable_mosaic.version = 14 : i64} {
  func.func @body(%arg0: i32, %arg1: memref<2x1000x48xf32, #tpu.memory_space<vmem>>, %arg2: memref<1000x8xf32, #tpu.memory_space<vmem>>, %arg3: memref<1000x32xf32, #tpu.memory_space<vmem>>) attributes {dimension_semantics = [#tpu.dimension_semantics<arbitrary>], iteration_bounds = array<i64: 10>, scalar_prefetch = 0 : i64, scratch_operands = 0 : i64, tpu.core_type = #tpu.core_type<tc>, window_params = [{transform_indices = @transform_0, window_bounds = array<i64: 2, 1000, 48>}, {transform_indices = @transform_1, window_bounds = array<i64: 1000, 8>}, {transform_indices = @transform_2, window_bounds = array<i64: 1000, 32>}]} {
    %get3A = arith.constant 0 : index
    %get3A_0 = arith.constant 0 : index
    %get3A_1 = arith.constant 0 : index
    %get3A_2 = vector.load %arg1[%get3A, %get3A_0, %get3A_1] : memref<2x1000x48xf32, #tpu.memory_space<vmem>>, vector<1x1000x48xf32>
    %get3A_3 = vector.shape_cast %get3A_2 : vector<1x1000x48xf32> to vector<1000x48xf32>
    %get3A_4 = arith.constant 1 : index
    %get3A_5 = arith.constant 0 : index
    %get3A_6 = arith.constant 0 : index
    %get3A_7 = vector.load %arg1[%get3A_4, %get3A_5, %get3A_6] : memref<2x1000x48xf32, #tpu.memory_space<vmem>>, vector<1x1000x48xf32>
    %get3A_8 = vector.shape_cast %get3A_7 : vector<1x1000x48xf32> to vector<1000x48xf32>
    %add3A = arith.addf %get3A_3, %get3A_8 : vector<1000x48xf32>
    %slice3A = vector.extract_strided_slice %add3A {offsets = [0, 32], sizes = [1000, 1], strides = [1, 1]} : vector<1000x48xf32> to vector<1000x1xf32>
    %max3A = arith.constant 1.000000e+00 : f32
    %max3A_9 = vector.broadcast %max3A : f32 to vector<1000x1xf32>
    %max3A_10 = arith.maximumf %slice3A, %max3A_9 : vector<1000x1xf32>
    %get3A_11 = arith.constant 0 : index
    %get3A_12 = arith.constant 0 : index
    %get3A_13 = vector.load %arg2[%get3A_11, %get3A_12] : memref<1000x8xf32, #tpu.memory_space<vmem>>, vector<1000x8xf32>
    %broadcast_in_dim3A = arith.constant 0.000000e+00 : f32
    %broadcast_in_dim3A_14 = vector.broadcast %broadcast_in_dim3A : f32 to vector<1000x24xf32>
    %concatenate3A = tpu.concatenate %get3A_13, %broadcast_in_dim3A_14 in 1 : vector<1000x8xf32>, vector<1000x24xf32> -> vector<1000x32xf32>
    %slice3A_15 = vector.extract_strided_slice %add3A {offsets = [0, 0], sizes = [1000, 32], strides = [1, 1]} : vector<1000x48xf32> to vector<1000x32xf32>
    %div3A = vector.broadcast %max3A_10 : vector<1000x1xf32> to vector<1000x32xf32>
    %div3A_16 = arith.divf %slice3A_15, %div3A : vector<1000x32xf32>
    %add3A_17 = arith.addf %div3A_16, %concatenate3A : vector<1000x32xf32>
    %swap3A = arith.constant 0 : index
    %swap3A_18 = arith.constant 0 : index
    %swap3A_19 = vector.load %arg3[%swap3A, %swap3A_18] : memref<1000x32xf32, #tpu.memory_space<vmem>>, vector<1000x32xf32>
    tpu.vector_store %arg3[%swap3A, %swap3A_18], %add3A_17 {strides = array<i32>} : memref<1000x32xf32, #tpu.memory_space<vmem>>, vector<1000x32xf32>,
    return
  }
  func.func @transform_0(%arg0: i32) -> (i32, i32, i32) {
    %c0_i32 = arith.constant 0 : i32
    %c0_i32_0 = arith.constant 0 : i32
    %c0_i32_1 = arith.constant 0 : i32
    return %c0_i32, %arg0, %c0_i32_0 : i32, i32, i32
  }
  func.func @transform_1(%arg0: i32) -> (i32, i32) {
    %c0_i32 = arith.constant 0 : i32
    %c0_i32_0 = arith.constant 0 : i32
    return %arg0, %c0_i32 : i32, i32
  }
  func.func @transform_2(%arg0: i32) -> (i32, i32) {
    %c0_i32 = arith.constant 0 : i32
    %c0_i32_0 = arith.constant 0 : i32
    return %arg0, %c0_i32 : i32, i32
  }
}

</mosaic_0001>

<sc_bundles>
// kernel: kernel.6.cloned.1.call-start
scs
__scs_entry_jumppad:
0x0: {  	(pc) =	sbr.rel $0x88, $3  }
0x1: {  	(tag) =	ssettag $0x0;
	lr =	simm.s32 $0x1  }
0x2: {  	[smem:$0x3F99] =	sst lr;
	_ =	strace $0xD0000000  }
0x3: {  	_ = 	snop  }
0x4: {  	_ = 	snop  }
0x5: {  	_ = 	snop  }
0x6: {  	_ = 	snop  }
0x7: {  	_ = 	snop  }
__scs_overlays_trampoline_lowered:
0x8: {  	[smem:$0x3FA8] =	sst s0  }
0x9: {  	[smem:$0x3FA9] =	sst s1  }
0xa: {  	[smem:$0x3FAA] =	sst s2  }
0xb: {  	[smem:$0x3FAB] =	sst s3  }
0xc: {  	[smem:$0x3FAC] =	sst s4  }
0xd: {  	[smem:$0x3FAD] =	sst s5  }
0xe: {  	[smem:$0x3FAE] =	sst s6  }
0xf: {  	[smem:$0x3FAF] =	sst s7  }
0x10: {  	[smem:$0x3FB0] =	sst s8  }
0x11: {  	[smem:$0x3FB1] =	sst s9;
	s0 =	simm.s32 @!p0 $0x0  }
0x12: {  	s1 =	sld [smem:$0x3F97];
	s0 =	simm.s32 @p0 $0x1  }
0x13: {  	[smem:$0x3FB2] =	sst s0;
	s0 =	simm.s32 @!p1 $0x0  }
0x14: {  	s2 =	sld [smem:$0x3F96];
	s0 =	simm.s32 @p1 $0x1  }
0x15: {  	[smem:$0x3FB3] =	sst s0;
	s0 =	simm.s32 @!p2 $0x0  }
0x16: {  	s3 =	sld [smem:$0x3FDB];
	s0 =	simm.s32 @p2 $0x1  }
0x17: {  	s4 =	simm.s32 $0x1BF5;
	[smem:$0x3FB5] =	sst s0  }
0x18: {  	s0 =	sld [smem:$0x3F98];
	_ =	swait.ge [sflag:s4], $0x0  }
0x19: {  	s7 =	sld [smem:$0x3F99]  }
0x1a: {  	s8 =	sadd.s32 $0xFFFFE003, lr  }
0x1b: {  	s9 =	sadd.s32 $0xFFFFFEF7, lr;
	s5 =	simm.s32 $0xFFFFFFFF;
	p2 =	slt.u32 s8, $0xFFFFF086  }
0x1c: {  	p1 =	slt.u32 s9, $0xF7A;
	s5 =	simm.s32 @!p2 $0x0  }
0x1d: {  	s5 =	simm.s32 @p1 $0x1;
	p0 =	seq.s32 s7, s2  }
0x1e: {  	s7 =	smul.u32 @!p0 $0xF7A, s2;
	p2 =	seq.s32 @!p0 s5, $0x0  }
0x1f: {  	s9 =	smul.u32 $0xF7A, s1;
	s8 =	simm.s32 @!p0 $0x1BF5;
	p2 =	por !p2, p0  }
0x20: {  	[sflag:s8] =	ssyncset.s32 @!p0 $0xFFFFF086;
	s6 =	sadd.s32 @!p0 s3, s7;
	s7 =	simm.s32 @!p0 $0x108  }
0x21: {  	s3 =	sadd.s32 s3, s9;
	s6 =	sadd.s32 @!p0 $0x88, s6;
	s7 =	simm.s32 @p2 $0x1082  }
0x22: {  	[simem:s7], [sflag:s8] =	dma.local @!p0 [hbm:s6], $0xF7A  }
0x23: {  	s9 =	sor.u32 $0xD0000000, s2;
	s6 =	simm.s32 $0x108;
	_ =	swait.ge @!p0 [sflag:s8], $0x0  }
0x24: {  	s3 =	sadd.s32 $0x88, s3;
	s6 =	simm.s32 @!p1 $0x1082;
	[sflag:s4] =	ssyncset.s32 $0xFFFFF086  }
0x25: {  	[simem:s6], [sflag:s4] =	dma.local [hbm:s3], $0xF7A  }
0x26: {  	[smem:$0x3F99] =	sst s1;
	(tag) =	ssettag s2;
	_ =	strace s9  }
0x27: {  	s1 =	sld [smem:$0x3FA9]  }
0x28: {  	s2 =	sld [smem:$0x3FAA]  }
0x29: {  	s4 =	sld [smem:$0x3FAC]  }
0x2a: {  	p0 =	seq.s32 s5, $0x0;
	s5 =	sld [smem:$0x3FAD]  }
0x2b: {  	s6 =	sld [smem:$0x3FAE]  }
0x2c: {  	s7 =	sld [smem:$0x3FAF]  }
0x2d: {  	s3 =	simm.s32 $0x108;
	s8 =	sld [smem:$0x3FB0]  }
0x2e: {  	s3 =	simm.s32 @!p0 $0x1082;
	s9 =	sld [smem:$0x3FB1]  }
0x2f: {  	lr =	sadd.s32 s0, s3;
	s0 =	sld [smem:$0x3FA8]  }
0x30: {  	s3 =	sld [smem:$0x3FAB]  }
0x31: {  	[smem:$0x3FB4] =	sst s10  }
0x32: {  	s10 =	sld [smem:$0x3FB2];
	_ =	sdelay $0x3  }
0x33: {  	p0 =	seq.s32 s10, $0x1;
	s10 =	sld [smem:$0x3FB4];
	_ =	sdelay $0x3  }
0x34: {  	[smem:$0x3FB4] =	sst s10  }
0x35: {  	s10 =	sld [smem:$0x3FB3];
	_ =	sdelay $0x3  }
0x36: {  	p1 =	seq.s32 s10, $0x1;
	s10 =	sld [smem:$0x3FB4];
	_ =	sdelay $0x3  }
0x37: {  	[smem:$0x3FB4] =	sst s10  }
0x38: {  	s10 =	sld [smem:$0x3FB5]  }
0x39: {  	_ = 	snop;
	(pc) =	sbr.ind lr, $3  }
0x3a: {  	_ = 	snop  }
0x3b: {  	_ = 	snop  }
0x3c: {  	p2 =	seq.s32 s10, $0x1;
	s10 =	sld [smem:$0x3FB4]  }
0x3d: {  	_ =	shalt  }
0x3e: {  	_ =	shalt  }
0x3f: {  	_ =	shalt  }
0x40: {  	_ =	shalt  }
0x41: {  	_ =	shalt  }
0x42: {  	_ =	shalt  }
0x43: {  	_ =	shalt  }
0x44: {  	_ =	shalt  }
0x45: {  	_ =	shalt  }
0x46: {  	_ =	shalt  }
0x47: {  	_ =	shalt  }
0x48: {  	_ =	shalt  }
0x49: {  	_ =	shalt  }
0x4a: {  	_ =	shalt  }
0x4b: {  	_ =	shalt  }
0x4c: {  	_ =	shalt  }
0x4d: {  	_ =	shalt  }
0x4e: {  	_ =	shalt  }
0x4f: {  	_ =	shalt  }
0x50: {  	_ =	shalt  }
0x51: {  	_ =	shalt  }
0x52: {  	_ =	shalt  }
0x53: {  	_ =	shalt  }
0x54: {  	_ =	shalt  }
0x55: {  	_ =	shalt  }
0x56: {  	_ =	shalt  }
0x57: {  	_ =	shalt  }
0x58: {  	_ =	shalt  }
0x59: {  	_ =	shalt  }
0x5a: {  	_ =	shalt  }
0x5b: {  	_ =	shalt  }
0x5c: {  	_ =	shalt  }
0x5d: {  	_ =	shalt  }
0x5e: {  	_ =	shalt  }
0x5f: {  	_ =	shalt  }
0x60: {  	_ =	shalt  }
0x61: {  	_ =	shalt  }
0x62: {  	_ =	shalt  }
0x63: {  	_ =	shalt  }
0x64: {  	_ =	shalt  }
0x65: {  	_ =	shalt  }
0x66: {  	_ =	shalt  }
0x67: {  	_ =	shalt  }
0x68: {  	_ =	shalt  }
0x69: {  	_ =	shalt  }
0x6a: {  	_ =	shalt  }
0x6b: {  	_ =	shalt  }
0x6c: {  	_ =	shalt  }
0x6d: {  	_ =	shalt  }
0x6e: {  	_ =	shalt  }
0x6f: {  	_ =	shalt  }
0x70: {  	_ =	shalt  }
0x71: {  	_ =	shalt  }
0x72: {  	_ =	shalt  }
0x73: {  	_ =	shalt  }
0x74: {  	_ =	shalt  }
0x75: {  	_ =	shalt  }
0x76: {  	_ =	shalt  }
0x77: {  	_ =	shalt  }
0x78: {  	_ =	shalt  }
0x79: {  	_ =	shalt  }
0x7a: {  	_ =	shalt  }
0x7b: {  	_ =	shalt  }
0x7c: {  	_ =	shalt  }
0x7d: {  	_ =	shalt  }
0x7e: {  	_ =	shalt  }
0x7f: {  	_ =	shalt  }
0x80: {  	_ =	shalt  }
0x81: {  	_ =	shalt  }
0x82: {  	_ =	shalt  }
0x83: {  	_ =	shalt  }
0x84: {  	_ =	shalt  }
0x85: {  	_ =	shalt  }
0x86: {  	_ =	shalt  }
0x87: {  	_ =	shalt  }
.Lfunc_end0:
.L_simem_size_0:
called_computation_lowered:
.L_overlay_start_0:
0x88: {  	s2 =	sld [smem:$0x3FD9]  }
0x89: {  	s3 =	sld [smem:$0x3FFE];
	_ =	sdelay $0x1  }
0x8a: {  	s1 =	srdreg.scid  }
0x8b: {  	s0 =	sand.u32 $0x1, s1  }
0x8c: {  	s16 =	sshll.u32 s0, $0xA;
	s2 =	sadd.s32 s3, s2  }
0x8d: {  	s2 =	sadd.s32 s2, s16  }
0x8e: {  	[smem:$0x3FC0] =	sst s2  }
0x8f: {  	_ = 	snop  }
0x90: {  	(tm) =	ssettm $0x1  }
0x91: {  	s17 =	sld [smem:$0x3FFB];
	_ =	sdelay $0x3  }
0x92: {  	_ =	strace s17  }
0x93: {  	s2 =	sld [smem:$0x3FFC];
	_ =	sdelay $0x3  }
0x94: {  	_ =	strace s2  }
0x95: {  	s2 =	sld [smem:$0x3FFD];
	_ =	sdelay $0x3  }
0x96: {  	_ =	strace s2  }
0x97: {  	_ =	strace $0x8FFFFFFF  }
0x98: {  	s18 =	sld [smem:$0x3FDB];
	_ =	sdelay $0x1  }
0x99: {  	s19 =	simm.s32 $_scs_section_size  }
0x9a: {  	s4 =	simm.s32 $_size__tile_overlayer_lowered;
	s5 =	simm.s32 $_tile_overlayer_lowered  }
0x9b: {  	s22 =	simm.s32 $0x1BFF;
	s21 =	sshll.u32 s5, $0x1;
	s2 =	sadd.s32 s19, s18  }
0x9c: {  	s6 =	simm.s32 $0x0;
	s20 =	sshll.u32 s4, $0x1;
	s4 =	sadd.s32 s21, s2  }
0x9d: {  	[timem:s6], [sflag:s22] =	dma.local [hbm:s4], s20  }
0x9e: {  	_ =	swait.ge [sflag:s22], s20  }
0x9f: {  	s3 =	ssub.s32 $0x0, s20;
	[sflag:s22] =	ssyncset.done $0x0  }
0xa0: {  	[sflag:s22] =	ssyncadd.s32 s3;
	_ =	sdelay $0x1  }
0xa1: {  	s23 =	simm.s32 $0x1B8B  }
0xa2: {  	_ =	swait.ge [sflag:s23], $0x1  }
0xa3: {  	[sflag:s23] =	ssyncset.done $0x0  }
0xa4: {  	s25 =	simm.s32 $0x1B8E;
	s24 =	sld [smem:$0x3FFE];
	[sflag:s23] =	ssyncadd.s32 $0xFFFFFFFF  }
0xa5: {  	s26 =	simm.s32 $execute0_lowered;
	[smem:$0x3FD2] =	sst s25  }
0xa6: {  	s4 =	sshll.u32 s26, $0x1;
	_ =	strace $0x80000046;
	[dreg:$0x1] =	wrdreg $0xFFFFFFFF  }
0xa7: {  	s28 =	simm.s32 $_size_execute0_lowered;
	s2 =	sadd.s32 s2, s4;
	[dreg:$0x0] =	wrdreg $0x0  }
0xa8: {  	s4 =	sshll.u32 s28, $0x1;
	[dreg:$0x2] =	wrdreg s2  }
0xa9: {  	[dreg:$0x3] =	wrdreg s4  }
0xaa: {  	[dreg:$0x4] =	wrdreg $0xC0  }
0xab: {  	_ =	task [dreg:s6], $0x5FFFF  }
0xac: {  	[dreg:$0x1] =	wrdreg $0xFFFFFFFF  }
0xad: {  	[dreg:$0x0] =	wrdreg $0x60  }
0xae: {  	[dreg:$0x2] =	wrdreg s24  }
0xaf: {  	[dreg:$0x3] =	wrdreg $0x9  }
0xb0: {  	_ =	task.clear_ibuf [dreg:s6], $0x4FFFF;
	_ =	strace $0x90000046  }
0xb1: {  	s29 =	simm.s32 $0x9;
	_ =	strace $0x80000048  }
0xb2: {  	_ =	swait.ge [sflag:s29], $0x1  }
0xb3: {  	[sflag:s29] =	ssyncadd.s32 $0xFFFFFFFF  }
0xb4: {  	_ =	strace $0x90000048  }
0xb5: {  	_ =	sfence  }
0xb6: {  	s30 =	sld [smem:$0x0];
	_ =	sdelay $0x2  }
0xb7: {  	s31 =	sshll.u32 s1, $0xD;
	s1 =	sshrl.u32 s1, $0x2  }
0xb8: {  	s3 =	sand.u32 $0x4000, s31;
	s1 =	sadd.s32 s1, s30  }
0xb9: {  	s0 =	sor.u32 s3, s0;
	s1 =	sshll.u32 s1, $0x11  }
0xba: {  	s0 =	sor.u32 s1, s0  }
0xbb: {  	s0 =	sadd.s32 $0x8F2B, s0  }
0xbc: {  	[sflag:s0] =	ssyncadd.remote.s32 $0x1  }
0xbd: {  	_ =	sfence.sel $0xFFFF  }
0xbe: {  	[dreg:$0x0] =	wrdreg $0xFFFFFFFF;
	(pc) =	sbr.abs _section_cstart, $3  }
0xbf: {  	[dreg:$0x1] =	wrdreg $0xFFFFFFFF  }
0xc0: {  	_ =	task.clear_ibuf [dreg:s6], $0x2FFFF;
	_ =	strace $0x9FFFFFFF  }
0xc1: {  	(tm) =	ssettm $0x7FFFFFFF  }
tec
execute0_lowered:
.L_overlay_start_1:
0x0: {  	(tag) =	ssettag $0x1  }
0x1: {  	s1 =	srdreg.scid  }
0x2: {  	s0 =	stileid.u32;
	s4 =	rddreg [dreg:$0x0]  }
0x3: {  	s2 =	simm.s32 $0x0;
	s13 =	simm.s32 $0x2710;
	s14 =	simm.s32 $0x2C10  }
0x4: {  	s15 =	simm.s32 $0x3110;
	s16 =	simm.s32 $0x3610;
	s17 =	simm.s32 $0x1  }
0x5: {  	s18 =	simm.s32 $0x2;
	s19 =	simm.s32 $0x3;
	s20 =	simm.s32 $0x4  }
0x6: {  	s21 =	simm.s32 $0x26C0;
	s22 =	simm.s32 $0x0;
	s10 =	smul.u32 $0x4E20, s0  }
0x7: {  	s5 =	sand.u32 $0x1, s1;
	s1 =	rddreg [dreg:$0x1];
	s30 =	smul.u32 $0x9C40, s0  }
0x8: {  	s3 =	sshll.u32 s0, $0x1;
	[smem:$0x7FF] =	sst s2;
	s29 =	smul.u32 $0x2710, s5  }
0x9: {  	s11 =	sadd.s32 $0x38000, s4;
	s6 =	sor.u32 s5, s3;
	s12 =	smul.u32 $0x4E20, s5  }
0xa: {  	_ =	strace $0x80000047;
	s8 =	ssub.s32 $0x2, s5;
	s7 =	smul.u32 $0x2710, s6  }
0xb: {  	s3 =	sadd.s32 $0x29200, s4;
	s6 =	smul.u32 $0x27100, s6;
	s9 =	sshrl.u32 s8, $0x1  }
0xc: {  	s8 =	ssub.s32 s8, s9;
	s9 =	sadd.s32 s29, s10;
	s7 =	sshrl.u32 s7, $0x3  }
0xd: {  	s6 =	sshrl.u32 s6, $0x3;
	s9 =	sshll.u32 s9, $0x1;
	s7 =	sadd.s32 s7, s4  }
0xe: {  	s6 =	sadd.s32 s11, s6;
	s31 =	sadd.s32 s11, s9;
	s4 =	sadd.s32 $0x2E200, s7  }
0xf: {  	s5 =	sadd.s32 $0x4D80, s6;
	s7 =	sadd.s32 s30, s11;
	s6 =	smax.u32 s8, $0x1  }
0x10: {  	s8 =	sadd.s32 $0x1E0, s31;
	s9 =	sadd.s32 $0x140, s31;
	s10 =	sadd.s32 $0xA0, s31  }
0x11: {  	s11 =	simm.s32 $0x5;
	s7 =	sadd.s32 s12, s7;
	s12 =	simm.s32 $0x50  }
.LBB2_1:
0x12: {  	[tilespmem:s2], [sflag:$0x5] =	stream.linear.gather [hbm4b:s4+s2], $0x2710, $0x38;
	[tilespmem:$0x3B10] =	vst v63  }
0x13: {  	_ =	swait.ge [sflag:s11], $0x2710  }
0x14: {  	[sflag:s11] =	ssyncset.done $0x0  }
0x15: {  	s23 =	simm.s32 $0x0;
	[sflag:s11] =	ssyncadd.s32 $0xFFFFD8F0  }
0x16: {  	[tilespmem:s13], [sflag:$0x1] =	stream.indirect.gather [hbm4b:s3+s12], $0x10, s23, s12, $0xb8;
	[tilespmem:$0x3B10] =	vst v63  }
0x17: {  	s24 =	simm.s32 $0x50  }
0x18: {  	[tilespmem:s14], [sflag:$0x2] =	stream.indirect.gather [hbm4b:s3+s12], $0x10, s24, s12, $0xb8;
	[tilespmem:$0x3B10] =	vst v63  }
0x19: {  	s25 =	simm.s32 $0xA0  }
0x1a: {  	[tilespmem:s15], [sflag:$0x3] =	stream.indirect.gather [hbm4b:s3+s12], $0x10, s25, s12, $0xb8;
	[tilespmem:$0x3B10] =	vst v63  }
0x1b: {  	s26 =	simm.s32 $0xF0  }
0x1c: {  	[tilespmem:s16], [sflag:$0x4] =	stream.indirect.gather [hbm4b:s3+s12], $0x10, s26, s12, $0xb8;
	[tilespmem:$0x3B10] =	vst v63  }
0x1d: {  	_ =	swait.ge [sflag:s17], $0x500  }
0x1e: {  	[sflag:s17] =	ssyncset.done $0x0  }
0x1f: {  	s28 =	sadd.s32 $0x0, s7;
	[sflag:s17] =	ssyncadd.s32 $0xFFFFFB00  }
0x20: {  	[hbm4b:s28+s2] =	stream.linear.scatter [tilespmem:s13], [sflag:$0x5], $0x500, $0x38;
	[tilespmem:$0x3B10] =	vst v63  }
0x21: {  	_ =	swait.ge [sflag:s11], $0x500  }
0x22: {  	[sflag:s11] =	ssyncset.done $0x0  }
0x23: {  	[sflag:s11] =	ssyncadd.s32 $0xFFFFFB00  }
0x24: {  	_ =	swait.ge [sflag:s18], $0x500  }
0x25: {  	[sflag:s18] =	ssyncset.done $0x0  }
0x26: {  	s29 =	sadd.s32 $0x0, s10;
	[sflag:s18] =	ssyncadd.s32 $0xFFFFFB00  }
0x27: {  	[hbm4b:s29+s2] =	stream.linear.scatter [tilespmem:s14], [sflag:$0x5], $0x500, $0x38;
	[tilespmem:$0x3B10] =	vst v63  }
0x28: {  	_ =	swait.ge [sflag:s11], $0x500  }
0x29: {  	[sflag:s11] =	ssyncset.done $0x0  }
0x2a: {  	[sflag:s11] =	ssyncadd.s32 $0xFFFFFB00  }
0x2b: {  	_ =	swait.ge [sflag:s19], $0x500  }
0x2c: {  	[sflag:s19] =	ssyncset.done $0x0  }
0x2d: {  	s30 =	sadd.s32 $0x0, s9;
	[sflag:s19] =	ssyncadd.s32 $0xFFFFFB00  }
0x2e: {  	[hbm4b:s30+s2] =	stream.linear.scatter [tilespmem:s15], [sflag:$0x5], $0x500, $0x38;
	[tilespmem:$0x3B10] =	vst v63  }
0x2f: {  	_ =	swait.ge [sflag:s11], $0x500  }
0x30: {  	[sflag:s11] =	ssyncset.done $0x0  }
0x31: {  	[sflag:s11] =	ssyncadd.s32 $0xFFFFFB00  }
0x32: {  	_ =	swait.ge [sflag:s20], $0x500  }
0x33: {  	[sflag:s20] =	ssyncset.done $0x0  }
0x34: {  	s31 =	sadd.s32 $0x0, s8;
	[sflag:s20] =	ssyncadd.s32 $0xFFFFFB00  }
0x35: {  	[hbm4b:s31+s2] =	stream.linear.scatter [tilespmem:s16], [sflag:$0x5], $0x500, $0x38;
	[tilespmem:$0x3B10] =	vst v63  }
0x36: {  	s23 =	simm.s32 $0x280;
	_ =	swait.ge [sflag:s11], $0x500  }
0x37: {  	s24 =	simm.s32 $0x230;
	s25 =	simm.s32 $0x500;
	[sflag:s11] =	ssyncset.done $0x0  }
.LBB2_2:
0x38: {  	p0 =	sne.s32 s25, $0x4B00;
	s26 =	sadd.s32 $0xFFFFFF10, s24;
	[sflag:s11] =	ssyncadd.s32 $0xFFFFFB00  }
0x39: {  	[tilespmem:s13], [sflag:$0x1] =	stream.indirect.gather [hbm4b:s3+s12], $0x10, s26, s12, $0xb8;
	[tilespmem:$0x3B10] =	vst v63  }
0x3a: {  	s28 =	sadd.s32 $0xFFFFFF60, s24;
	s26 =	smov.u32 s25;
	s25 =	sadd.s32 $0x280, s25  }
0x3b: {  	[tilespmem:s14], [sflag:$0x2] =	stream.indirect.gather [hbm4b:s3+s12], $0x10, s28, s12, $0xb8;
	[tilespmem:$0x3B10] =	vst v63  }
0x3c: {  	s28 =	sadd.s32 $0xFFFFFFB0, s24  }
0x3d: {  	[tilespmem:s15], [sflag:$0x3] =	stream.indirect.gather [hbm4b:s3+s12], $0x10, s28, s12, $0xb8;
	[tilespmem:$0x3B10] =	vst v63  }
0x3e: {  	_ = 	snop  }
0x3f: {  	[tilespmem:s16], [sflag:$0x4] =	stream.indirect.gather [hbm4b:s3+s12], $0x10, s24, s12, $0xb8;
	[tilespmem:$0x3B10] =	vst v63  }
0x40: {  	_ =	swait.ge [sflag:s17], $0x500  }
0x41: {  	[sflag:s17] =	ssyncset.done $0x0  }
0x42: {  	s28 =	sadd.s32 s23, s7;
	[sflag:s17] =	ssyncadd.s32 $0xFFFFFB00  }
0x43: {  	[hbm4b:s28+s2] =	stream.linear.scatter [tilespmem:s13], [sflag:$0x5], $0x500, $0x38;
	[tilespmem:$0x3B10] =	vst v63  }
0x44: {  	_ =	swait.ge [sflag:s11], $0x500  }
0x45: {  	[sflag:s11] =	ssyncset.done $0x0  }
0x46: {  	[sflag:s11] =	ssyncadd.s32 $0xFFFFFB00  }
0x47: {  	_ =	swait.ge [sflag:s18], $0x500  }
0x48: {  	[sflag:s18] =	ssyncset.done $0x0  }
0x49: {  	s28 =	sadd.s32 s23, s10;
	[sflag:s18] =	ssyncadd.s32 $0xFFFFFB00  }
0x4a: {  	[hbm4b:s28+s2] =	stream.linear.scatter [tilespmem:s14], [sflag:$0x5], $0x500, $0x38;
	[tilespmem:$0x3B10] =	vst v63  }
0x4b: {  	_ =	swait.ge [sflag:s11], $0x500  }
0x4c: {  	[sflag:s11] =	ssyncset.done $0x0  }
0x4d: {  	[sflag:s11] =	ssyncadd.s32 $0xFFFFFB00  }
0x4e: {  	_ =	swait.ge [sflag:s19], $0x500  }
0x4f: {  	[sflag:s19] =	ssyncset.done $0x0  }
0x50: {  	s28 =	sadd.s32 s23, s9;
	[sflag:s19] =	ssyncadd.s32 $0xFFFFFB00  }
0x51: {  	[hbm4b:s28+s2] =	stream.linear.scatter [tilespmem:s15], [sflag:$0x5], $0x500, $0x38;
	[tilespmem:$0x3B10] =	vst v63  }
0x52: {  	_ =	swait.ge [sflag:s11], $0x500  }
0x53: {  	[sflag:s11] =	ssyncset.done $0x0  }
0x54: {  	[sflag:s11] =	ssyncadd.s32 $0xFFFFFB00  }
0x55: {  	_ =	swait.ge [sflag:s20], $0x500  }
.Ltmp0:
0x56: {  	[sflag:s20] =	ssyncset.done $0x0;
	(pc) =	sbr.rel @p0 .LBB2_2-.Ltmp0, $4  }
0x57: {  	s28 =	sadd.s32 s23, s8;
	s23 =	smov.u32 s26;
	[sflag:s20] =	ssyncadd.s32 $0xFFFFFB00  }
0x58: {  	[hbm4b:s28+s2] =	stream.linear.scatter [tilespmem:s16], [sflag:$0x5], $0x500, $0x38;
	[tilespmem:$0x3B10] =	vst v63  }
0x59: {  	_ =	swait.ge [sflag:s11], $0x500  }
0x5a: {  	s24 =	sadd.s32 $0x140, s24;
	[sflag:s11] =	ssyncset.done $0x0  }
0x5b: {  	s25 =	sadd.s32 $0xFFFFFF10, s24;
	[sflag:s11] =	ssyncadd.s32 $0xFFFFFB00  }
0x5c: {  	[tilespmem:s13], [sflag:$0x1] =	stream.indirect.gather [hbm4b:s3+s12], $0x10, s25, s12, $0xb8;
	[tilespmem:$0x3B10] =	vst v63  }
0x5d: {  	s31 =	sadd.s32 $0xFFFFFF60, s24  }
0x5e: {  	[tilespmem:s14], [sflag:$0x2] =	stream.indirect.gather [hbm4b:s3+s12], $0x10, s31, s12, $0xb8;
	[tilespmem:$0x3B10] =	vst v63  }
0x5f: {  	s26 =	sadd.s32 $0xFFFFFFB0, s24  }
0x60: {  	[tilespmem:s15], [sflag:$0x3] =	stream.indirect.gather [hbm4b:s3+s12], $0x10, s26, s12, $0xb8;
	[tilespmem:$0x3B10] =	vst v63  }
0x61: {  	_ = 	snop  }
0x62: {  	[tilespmem:s16], [sflag:$0x4] =	stream.indirect.gather [hbm4b:s3+s12], $0x10, s24, s12, $0xb8;
	[tilespmem:$0x3B10] =	vst v63  }
0x63: {  	_ =	swait.ge [sflag:s17], $0x500  }
0x64: {  	[sflag:s17] =	ssyncset.done $0x0  }
0x65: {  	s28 =	sadd.s32 s23, s7;
	[sflag:s17] =	ssyncadd.s32 $0xFFFFFB00  }
0x66: {  	[hbm4b:s28+s2] =	stream.linear.scatter [tilespmem:s13], [sflag:$0x5], $0x500, $0x38;
	[tilespmem:$0x3B10] =	vst v63  }
0x67: {  	_ =	swait.ge [sflag:s11], $0x500  }
0x68: {  	[sflag:s11] =	ssyncset.done $0x0  }
0x69: {  	[sflag:s11] =	ssyncadd.s32 $0xFFFFFB00  }
0x6a: {  	_ =	swait.ge [sflag:s18], $0x500  }
0x6b: {  	[sflag:s18] =	ssyncset.done $0x0  }
0x6c: {  	s29 =	sadd.s32 s23, s10;
	[sflag:s18] =	ssyncadd.s32 $0xFFFFFB00  }
0x6d: {  	[hbm4b:s29+s2] =	stream.linear.scatter [tilespmem:s14], [sflag:$0x5], $0x500, $0x38;
	[tilespmem:$0x3B10] =	vst v63  }
0x6e: {  	_ =	swait.ge [sflag:s11], $0x500  }
0x6f: {  	[sflag:s11] =	ssyncset.done $0x0  }
0x70: {  	[sflag:s11] =	ssyncadd.s32 $0xFFFFFB00  }
0x71: {  	_ =	swait.ge [sflag:s19], $0x500  }
0x72: {  	[sflag:s19] =	ssyncset.done $0x0  }
0x73: {  	s30 =	sadd.s32 s23, s9;
	[sflag:s19] =	ssyncadd.s32 $0xFFFFFB00  }
0x74: {  	[hbm4b:s30+s2] =	stream.linear.scatter [tilespmem:s15], [sflag:$0x5], $0x500, $0x38;
	[tilespmem:$0x3B10] =	vst v63  }
0x75: {  	_ =	swait.ge [sflag:s11], $0x500  }
0x76: {  	[sflag:s11] =	ssyncset.done $0x0  }
0x77: {  	[sflag:s11] =	ssyncadd.s32 $0xFFFFFB00  }
0x78: {  	_ =	swait.ge [sflag:s20], $0x500  }
0x79: {  	[sflag:s20] =	ssyncset.done $0x0  }
0x7a: {  	s31 =	sadd.s32 s23, s8;
	[sflag:s20] =	ssyncadd.s32 $0xFFFFFB00  }
0x7b: {  	[hbm4b:s31+s2] =	stream.linear.scatter [tilespmem:s16], [sflag:$0x5], $0x500, $0x38;
	[tilespmem:$0x3B10] =	vst v63  }
0x7c: {  	_ =	swait.ge [sflag:s11], $0x500  }
0x7d: {  	[sflag:s11] =	ssyncset.done $0x0  }
0x7e: {  	[sflag:s11] =	ssyncadd.s32 $0xFFFFFB00  }
0x7f: {  	[tilespmem:s13], [sflag:$0x1] =	stream.indirect.gather [hbm4b:s3+s12], $0x10, s21, s12, $0xb8;
	[tilespmem:$0x3B10] =	vst v63  }
0x80: {  	s22 =	sadd.s32 $0x1, s22;
	_ =	swait.ge [sflag:s17], $0x500  }
0x81: {  	p0 =	sne.s32 s22, s6;
	[sflag:s17] =	ssyncset.done $0x0  }
.Ltmp1:
0x82: {  	[sflag:s17] =	ssyncadd.s32 $0xFFFFFB00;
	(pc) =	sbr.rel @p0 .LBB2_1-.Ltmp1, $4  }
0x83: {  	[hbm4b:s5+s2] =	stream.linear.scatter [tilespmem:s13], [sflag:$0x5], $0x500, $0x38;
	[tilespmem:$0x3B10] =	vst v63  }
0x84: {  	_ =	swait.ge [sflag:s11], $0x500  }
0x85: {  	[sflag:s11] =	ssyncset.done $0x0  }
0x86: {  	[sflag:s11] =	ssyncadd.s32 $0xFFFFFB00  }
0x87: {  	_ =	sfence.sel $0x180000  }
0x88: {  	[bflag:$0x0] =	sbarrier.arrive $0xFFFF  }
0x89: {  	p0 =	sne.s32 s0, $0x0;
	_ =	strace $0x90000047  }
0x8a: {  	s0 =	sadd.s32 @!p0 $0x100000, s1;
	[bflag:$0x2] =	sbarrier.arrive $0xFFFF  }
0x8b: {  	[sflag:s0] =	ssyncadd.tile.s32 @!p0 $0x1;
	_ =	shalt  }
.Lfunc_end2:
_tile_overlayer_lowered:
.L_overlay_start_2:
0x8c: {  	(tag) =	ssettag $0x2  }
0x8d: {  	s0 =	rddreg [dreg:$0x0];
	s2 =	stileid.u32  }
0x8e: {  	s1 =	rddreg [dreg:$0x1];
	p0 =	sne.s32 s2, $0x0  }
0x8f: {  	s3 =	rddreg [dreg:$0x2];
	[bflag:$0x3] =	sbarrier.arrive $0xFFFF;
	s2 =	simm.s32 @!p0 $0x1C05  }
0x90: {  	[timem:s3], [sflag:s2] =	dma.local @!p0 [hbm:s0], s1  }
0x91: {  	s0 =	simm.s32 @!p0 $0x5  }
0x92: {  	_ =	swait.ge @!p0 [sflag:s0], s1  }
0x93: {  	s1 =	ssub.s32 @!p0 $0x0, s1;
	[sflag:s0] =	ssyncset.done @!p0 $0x0  }
0x94: {  	[sflag:s0] =	ssyncadd.s32 @!p0 s1  }
0x95: {  	[bflag:$0x3] =	sbarrier.arrive $0xFFFF  }
0x96: {  	_ =	shalt  }

// kernel: kernel.9.cloned.1.call-start
scs
__scs_entry_jumppad:
0x0: {  	(pc) =	sbr.rel $0x88, $3  }
0x1: {  	(tag) =	ssettag $0x0;
	lr =	simm.s32 $0x1  }
0x2: {  	[smem:$0x3F99] =	sst lr;
	_ =	strace $0xD0000000  }
0x3: {  	_ = 	snop  }
0x4: {  	_ = 	snop  }
0x5: {  	_ = 	snop  }
0x6: {  	_ = 	snop  }
0x7: {  	_ = 	snop  }
__scs_overlays_trampoline_lowered:
0x8: {  	[smem:$0x3FA8] =	sst s0  }
0x9: {  	[smem:$0x3FA9] =	sst s1  }
0xa: {  	[smem:$0x3FAA] =	sst s2  }
0xb: {  	[smem:$0x3FAB] =	sst s3  }
0xc: {  	[smem:$0x3FAC] =	sst s4  }
0xd: {  	[smem:$0x3FAD] =	sst s5  }
0xe: {  	[smem:$0x3FAE] =	sst s6  }
0xf: {  	[smem:$0x3FAF] =	sst s7  }
0x10: {  	[smem:$0x3FB0] =	sst s8  }
0x11: {  	[smem:$0x3FB1] =	sst s9;
	s0 =	simm.s32 @!p0 $0x0  }
0x12: {  	s1 =	sld [smem:$0x3F97];
	s0 =	simm.s32 @p0 $0x1  }
0x13: {  	[smem:$0x3FB2] =	sst s0;
	s0 =	simm.s32 @!p1 $0x0  }
0x14: {  	s2 =	sld [smem:$0x3F96];
	s0 =	simm.s32 @p1 $0x1  }
0x15: {  	[smem:$0x3FB3] =	sst s0;
	s0 =	simm.s32 @!p2 $0x0  }
0x16: {  	s3 =	sld [smem:$0x3FDB];
	s0 =	simm.s32 @p2 $0x1  }
0x17: {  	s4 =	simm.s32 $0x1BF5;
	[smem:$0x3FB5] =	sst s0  }
0x18: {  	s0 =	sld [smem:$0x3F98];
	_ =	swait.ge [sflag:s4], $0x0  }
0x19: {  	s7 =	sld [smem:$0x3F99]  }
0x1a: {  	s8 =	sadd.s32 $0xFFFFE003, lr  }
0x1b: {  	s9 =	sadd.s32 $0xFFFFFEF7, lr;
	s5 =	simm.s32 $0xFFFFFFFF;
	p2 =	slt.u32 s8, $0xFFFFF086  }
0x1c: {  	p1 =	slt.u32 s9, $0xF7A;
	s5 =	simm.s32 @!p2 $0x0  }
0x1d: {  	s5 =	simm.s32 @p1 $0x1;
	p0 =	seq.s32 s7, s2  }
0x1e: {  	s7 =	smul.u32 @!p0 $0xF7A, s2;
	p2 =	seq.s32 @!p0 s5, $0x0  }
0x1f: {  	s9 =	smul.u32 $0xF7A, s1;
	s8 =	simm.s32 @!p0 $0x1BF5;
	p2 =	por !p2, p0  }
0x20: {  	[sflag:s8] =	ssyncset.s32 @!p0 $0xFFFFF086;
	s6 =	sadd.s32 @!p0 s3, s7;
	s7 =	simm.s32 @!p0 $0x108  }
0x21: {  	s3 =	sadd.s32 s3, s9;
	s6 =	sadd.s32 @!p0 $0x88, s6;
	s7 =	simm.s32 @p2 $0x1082  }
0x22: {  	[simem:s7], [sflag:s8] =	dma.local @!p0 [hbm:s6], $0xF7A  }
0x23: {  	s9 =	sor.u32 $0xD0000000, s2;
	s6 =	simm.s32 $0x108;
	_ =	swait.ge @!p0 [sflag:s8], $0x0  }
0x24: {  	s3 =	sadd.s32 $0x88, s3;
	s6 =	simm.s32 @!p1 $0x1082;
	[sflag:s4] =	ssyncset.s32 $0xFFFFF086  }
0x25: {  	[simem:s6], [sflag:s4] =	dma.local [hbm:s3], $0xF7A  }
0x26: {  	[smem:$0x3F99] =	sst s1;
	(tag) =	ssettag s2;
	_ =	strace s9  }
0x27: {  	s1 =	sld [smem:$0x3FA9]  }
0x28: {  	s2 =	sld [smem:$0x3FAA]  }
0x29: {  	s4 =	sld [smem:$0x3FAC]  }
0x2a: {  	p0 =	seq.s32 s5, $0x0;
	s5 =	sld [smem:$0x3FAD]  }
0x2b: {  	s6 =	sld [smem:$0x3FAE]  }
0x2c: {  	s7 =	sld [smem:$0x3FAF]  }
0x2d: {  	s3 =	simm.s32 $0x108;
	s8 =	sld [smem:$0x3FB0]  }
0x2e: {  	s3 =	simm.s32 @!p0 $0x1082;
	s9 =	sld [smem:$0x3FB1]  }
0x2f: {  	lr =	sadd.s32 s0, s3;
	s0 =	sld [smem:$0x3FA8]  }
0x30: {  	s3 =	sld [smem:$0x3FAB]  }
0x31: {  	[smem:$0x3FB4] =	sst s10  }
0x32: {  	s10 =	sld [smem:$0x3FB2];
	_ =	sdelay $0x3  }
0x33: {  	p0 =	seq.s32 s10, $0x1;
	s10 =	sld [smem:$0x3FB4];
	_ =	sdelay $0x3  }
0x34: {  	[smem:$0x3FB4] =	sst s10  }
0x35: {  	s10 =	sld [smem:$0x3FB3];
	_ =	sdelay $0x3  }
0x36: {  	p1 =	seq.s32 s10, $0x1;
	s10 =	sld [smem:$0x3FB4];
	_ =	sdelay $0x3  }
0x37: {  	[smem:$0x3FB4] =	sst s10  }
0x38: {  	s10 =	sld [smem:$0x3FB5]  }
0x39: {  	_ = 	snop;
	(pc) =	sbr.ind lr, $3  }
0x3a: {  	_ = 	snop  }
0x3b: {  	_ = 	snop  }
0x3c: {  	p2 =	seq.s32 s10, $0x1;
	s10 =	sld [smem:$0x3FB4]  }
0x3d: {  	_ =	shalt  }
0x3e: {  	_ =	shalt  }
0x3f: {  	_ =	shalt  }
0x40: {  	_ =	shalt  }
0x41: {  	_ =	shalt  }
0x42: {  	_ =	shalt  }
0x43: {  	_ =	shalt  }
0x44: {  	_ =	shalt  }
0x45: {  	_ =	shalt  }
0x46: {  	_ =	shalt  }
0x47: {  	_ =	shalt  }
0x48: {  	_ =	shalt  }
0x49: {  	_ =	shalt  }
0x4a: {  	_ =	shalt  }
0x4b: {  	_ =	shalt  }
0x4c: {  	_ =	shalt  }
0x4d: {  	_ =	shalt  }
0x4e: {  	_ =	shalt  }
0x4f: {  	_ =	shalt  }
0x50: {  	_ =	shalt  }
0x51: {  	_ =	shalt  }
0x52: {  	_ =	shalt  }
0x53: {  	_ =	shalt  }
0x54: {  	_ =	shalt  }
0x55: {  	_ =	shalt  }
0x56: {  	_ =	shalt  }
0x57: {  	_ =	shalt  }
0x58: {  	_ =	shalt  }
0x59: {  	_ =	shalt  }
0x5a: {  	_ =	shalt  }
0x5b: {  	_ =	shalt  }
0x5c: {  	_ =	shalt  }
0x5d: {  	_ =	shalt  }
0x5e: {  	_ =	shalt  }
0x5f: {  	_ =	shalt  }
0x60: {  	_ =	shalt  }
0x61: {  	_ =	shalt  }
0x62: {  	_ =	shalt  }
0x63: {  	_ =	shalt  }
0x64: {  	_ =	shalt  }
0x65: {  	_ =	shalt  }
0x66: {  	_ =	shalt  }
0x67: {  	_ =	shalt  }
0x68: {  	_ =	shalt  }
0x69: {  	_ =	shalt  }
0x6a: {  	_ =	shalt  }
0x6b: {  	_ =	shalt  }
0x6c: {  	_ =	shalt  }
0x6d: {  	_ =	shalt  }
0x6e: {  	_ =	shalt  }
0x6f: {  	_ =	shalt  }
0x70: {  	_ =	shalt  }
0x71: {  	_ =	shalt  }
0x72: {  	_ =	shalt  }
0x73: {  	_ =	shalt  }
0x74: {  	_ =	shalt  }
0x75: {  	_ =	shalt  }
0x76: {  	_ =	shalt  }
0x77: {  	_ =	shalt  }
0x78: {  	_ =	shalt  }
0x79: {  	_ =	shalt  }
0x7a: {  	_ =	shalt  }
0x7b: {  	_ =	shalt  }
0x7c: {  	_ =	shalt  }
0x7d: {  	_ =	shalt  }
0x7e: {  	_ =	shalt  }
0x7f: {  	_ =	shalt  }
0x80: {  	_ =	shalt  }
0x81: {  	_ =	shalt  }
0x82: {  	_ =	shalt  }
0x83: {  	_ =	shalt  }
0x84: {  	_ =	shalt  }
0x85: {  	_ =	shalt  }
0x86: {  	_ =	shalt  }
0x87: {  	_ =	shalt  }
.Lfunc_end0:
.L_simem_size_0:
called_computation.1_lowered:
.L_overlay_start_0:
0x88: {  	s2 =	sld [smem:$0x3FD9]  }
0x89: {  	s3 =	sld [smem:$0x3FFE];
	_ =	sdelay $0x1  }
0x8a: {  	s1 =	srdreg.scid  }
0x8b: {  	s0 =	sand.u32 $0x1, s1  }
0x8c: {  	s17 =	sshll.u32 s0, $0xA;
	s2 =	sadd.s32 s3, s2  }
0x8d: {  	s2 =	sadd.s32 s2, s17  }
0x8e: {  	[smem:$0x3FC0] =	sst s2  }
0x8f: {  	_ = 	snop  }
0x90: {  	s2 =	sld [smem:$0x3FD0];
	(tm) =	ssettm $0x1  }
0x91: {  	s18 =	sld [smem:$0x3FFB];
	_ =	sdelay $0x3  }
0x92: {  	_ =	strace s18  }
0x93: {  	s3 =	sld [smem:$0x3FFC];
	_ =	sdelay $0x3  }
0x94: {  	_ =	strace s3  }
0x95: {  	s3 =	sld [smem:$0x3FFD];
	_ =	sdelay $0x3  }
0x96: {  	_ =	strace s3  }
0x97: {  	_ =	strace $0x8FFFFFFF  }
0x98: {  	s19 =	sld [smem:$0x3FDB];
	_ =	sdelay $0x1  }
0x99: {  	s4 =	simm.s32 $_scs_section_size  }
0x9a: {  	s5 =	simm.s32 $_size__tile_overlayer_lowered;
	s6 =	simm.s32 $_tile_overlayer_lowered  }
0x9b: {  	s22 =	simm.s32 $0x1BFF;
	s21 =	sshll.u32 s6, $0x1;
	s3 =	sadd.s32 s4, s19  }
0x9c: {  	s7 =	simm.s32 $0x0;
	s20 =	sshll.u32 s5, $0x1;
	s5 =	sadd.s32 s21, s3  }
0x9d: {  	[timem:s7], [sflag:s22] =	dma.local [hbm:s5], s20  }
0x9e: {  	_ =	swait.ge [sflag:s22], s20  }
0x9f: {  	s4 =	ssub.s32 $0x0, s20;
	[sflag:s22] =	ssyncset.done $0x0  }
0xa0: {  	[sflag:s22] =	ssyncadd.s32 s4;
	_ =	sdelay $0x1  }
0xa1: {  	s23 =	simm.s32 $0x1B8B  }
0xa2: {  	_ =	swait.ge [sflag:s23], $0x1  }
0xa3: {  	[sflag:s23] =	ssyncset.done $0x0  }
0xa4: {  	s25 =	simm.s32 $0x1B8E;
	s24 =	sld [smem:$0x3FFE];
	[sflag:s23] =	ssyncadd.s32 $0xFFFFFFFF  }
0xa5: {  	s26 =	simm.s32 $execute0_lowered;
	[smem:$0x3FD2] =	sst s25  }
0xa6: {  	s5 =	sshll.u32 s26, $0x1;
	_ =	strace $0x80000049;
	[dreg:$0x1] =	wrdreg $0xFFFFFFFF  }
0xa7: {  	s28 =	simm.s32 $_size_execute0_lowered;
	s3 =	sadd.s32 s3, s5;
	[dreg:$0x0] =	wrdreg $0x0  }
0xa8: {  	s5 =	sshll.u32 s28, $0x1;
	[dreg:$0x2] =	wrdreg s3  }
0xa9: {  	[dreg:$0x3] =	wrdreg s5  }
0xaa: {  	[dreg:$0x4] =	wrdreg $0xC0  }
0xab: {  	_ =	task [dreg:s7], $0x5FFFF  }
0xac: {  	[dreg:$0x1] =	wrdreg $0xFFFFFFFF  }
0xad: {  	[dreg:$0x0] =	wrdreg $0x60  }
0xae: {  	[dreg:$0x2] =	wrdreg s24  }
0xaf: {  	[dreg:$0x3] =	wrdreg s2  }
0xb0: {  	[dreg:$0x4] =	wrdreg $0x63100  }
0xb1: {  	[dreg:$0x5] =	wrdreg $0x9  }
0xb2: {  	_ =	task.clear_ibuf [dreg:s7], $0x6FFFF;
	_ =	strace $0x90000049  }
0xb3: {  	s29 =	simm.s32 $0x9;
	_ =	strace $0x8000004B  }
0xb4: {  	_ =	swait.ge [sflag:s29], $0x1  }
0xb5: {  	[sflag:s29] =	ssyncadd.s32 $0xFFFFFFFF  }
0xb6: {  	_ =	strace $0x9000004B  }
0xb7: {  	_ =	sfence  }
0xb8: {  	s30 =	sld [smem:$0x0];
	_ =	sdelay $0x2  }
0xb9: {  	s31 =	sshll.u32 s1, $0xD;
	s1 =	sshrl.u32 s1, $0x2  }
0xba: {  	s3 =	sand.u32 $0x4000, s31;
	s1 =	sadd.s32 s1, s30  }
0xbb: {  	s0 =	sor.u32 s3, s0;
	s1 =	sshll.u32 s1, $0x11  }
0xbc: {  	s0 =	sor.u32 s1, s0  }
0xbd: {  	s0 =	sadd.s32 $0x8F2B, s0  }
0xbe: {  	[sflag:s0] =	ssyncadd.remote.s32 $0x1  }
0xbf: {  	_ =	sfence.sel $0xFFFF  }
0xc0: {  	[dreg:$0x0] =	wrdreg $0xFFFFFFFF;
	(pc) =	sbr.abs _section_cstart, $3  }
0xc1: {  	[dreg:$0x1] =	wrdreg $0xFFFFFFFF  }
0xc2: {  	_ =	task.clear_ibuf [dreg:s7], $0x2FFFF;
	_ =	strace $0x9FFFFFFF  }
0xc3: {  	(tm) =	ssettm $0x7FFFFFFF  }
tec
execute0_lowered:
.L_overlay_start_1:
0x0: {  	(tag) =	ssettag $0x1  }
0x1: {  	s5 =	rddreg [dreg:$0x0]  }
0x2: {  	s6 =	rddreg [dreg:$0x1]  }
0x3: {  	s2 =	rddreg [dreg:$0x2];
	s3 =	simm.s32 $0x0  }
0x4: {  	s4 =	srdreg.scid;
	s0 =	stileid.u32;
	s16 =	simm.s32 $0x5410  }
0x5: {  	s17 =	simm.s32 $0x1;
	s18 =	simm.s32 $0x50;
	s19 =	simm.s32 $0x2  }
0x6: {  	s20 =	simm.s32 $0x3;
	s21 =	simm.s32 $0x4;
	s22 =	simm.s32 $0x5  }
0x7: {  	s23 =	simm.s32 $0x6;
	s24 =	simm.s32 $0x7;
	s28 =	simm.s32 $0x0  }
0x8: {  	[smem:$0x7FF] =	sst s3;
	s7 =	sand.u32 $0x1, s4;
	s8 =	smul.u32 $0x7800, s0  }
0x9: {  	s10 =	sadd.s32 $0x29200, s5;
	s4 =	sadd.s32 $0x1FDE00, s5;
	s31 =	smul.u32 $0x1D4C0, s0  }
0xa: {  	s12 =	sshll.u32 s0, $0x1;
	s26 =	sshll.u32 s0, $0x6;
	s9 =	smul.u32 $0x78000, s7  }
0xb: {  	s11 =	ssub.s32 $0x2, s7;
	s12 =	sor.u32 s7, s12;
	s15 =	smul.u32 $0xEA60, s7  }
0xc: {  	_ =	strace $0x8000004A;
	s13 =	sshrl.u32 s11, $0x1;
	s25 =	smul.u32 $0x75300, s12  }
0xd: {  	s14 =	sadd.s32 s8, s2;
	s29 =	smul.u32 $0x2710, s12;
	s9 =	sadd.s32 s8, s9  }
0xe: {  	s11 =	ssub.s32 s11, s13;
	s13 =	simm.s32 $0x2710;
	s9 =	sshrl.u32 s9, $0x3  }
0xf: {  	s30 =	sshrl.u32 s25, $0x3;
	s8 =	sshrl.u32 s29, $0x3;
	s25 =	simm.s32 $0x8  }
0x10: {  	s9 =	sadd.s32 s9, s5;
	s5 =	sor.u32 $0x1C09, s26;
	s12 =	sadd.s32 s10, s30  }
0x11: {  	s6 =	sadd.s32 s6, s8;
	s10 =	sadd.s32 s31, s10;
	s26 =	simm.s32 $0x26C0  }
0x12: {  	s7 =	sadd.s32 $0xE880, s12;
	s8 =	sadd.s32 $0x1FEE00, s9;
	s9 =	smax.u32 s11, $0x1  }
0x13: {  	s10 =	sadd.s32 s15, s10;
	s11 =	sshrl.u32 s14, $0x3;
	s12 =	simm.s32 $0x9  }
0x14: {  	s14 =	simm.s32 $0x3610;
	s15 =	simm.s32 $0x4510;
	s10 =	sadd.s32 $0x5A0, s10  }
.LBB2_1:
0x15: {  	[spmem:s11], [sflag:s5] =	dma.local [hbm:s4], $0xF00  }
0x16: {  	_ =	swait.ge [sflag:s12], $0xF00  }
0x17: {  	[sflag:s12] =	ssyncset.done $0x0  }
0x18: {  	[sflag:s12] =	ssyncadd.s32 $0xFFFFF100  }
0x19: {  	[bflag:$0x0] =	sbarrier.arrive $0xFFFF  }
0x1a: {  	[tilespmem:s3], [sflag:$0x9] =	stream.linear.gather [hbm4b:s6+s3], $0x2710, $0x38;
	[tilespmem:$0xDB10] =	vst v63  }
0x1b: {  	_ =	swait.ge [sflag:s12], $0x2710  }
0x1c: {  	[sflag:s12] =	ssyncset.done $0x0  }
0x1d: {  	s29 =	sadd.s32 $0xFFFFFA60, s10;
	[sflag:s12] =	ssyncadd.s32 $0xFFFFD8F0  }
0x1e: {  	[tilespmem:s13], [sflag:$0x1] =	stream.linear.gather [hbm4b:s29+s3], $0xF00, $0x38;
	[tilespmem:$0xDB10] =	vst v63  }
0x1f: {  	s29 =	sadd.s32 $0xFFFFFC40, s10  }
0x20: {  	[tilespmem:s14], [sflag:$0x2] =	stream.linear.gather [hbm4b:s29+s3], $0xF00, $0x38;
	[tilespmem:$0xDB10] =	vst v63  }
0x21: {  	s29 =	sadd.s32 $0xFFFFFE20, s10  }
0x22: {  	[tilespmem:s15], [sflag:$0x3] =	stream.linear.gather [hbm4b:s29+s3], $0xF00, $0x38;
	[tilespmem:$0xDB10] =	vst v63  }
0x23: {  	_ = 	snop  }
0x24: {  	[tilespmem:s16], [sflag:$0x4] =	stream.linear.gather [hbm4b:s10+s3], $0xF00, $0x38;
	[tilespmem:$0xDB10] =	vst v63  }
0x25: {  	_ =	swait.ge [sflag:s17], $0xF00  }
0x26: {  	[sflag:s17] =	ssyncset.done $0x0  }
0x27: {  	s29 =	simm.s32 $0x0;
	[sflag:s17] =	ssyncadd.s32 $0xFFFFF100  }
0x28: {  	[spmem:s2] =	stream.indirect.scatter.add.f32 [tilespmem:s13], [sflag:$0x5], $0x30, s29, s18, $0xb8;
	[tilespmem:$0xDB10] =	vst v63  }
0x29: {  	_ =	swait.ge [sflag:s19], $0xF00  }
0x2a: {  	[sflag:s19] =	ssyncset.done $0x0  }
0x2b: {  	s29 =	simm.s32 $0x50;
	[sflag:s19] =	ssyncadd.s32 $0xFFFFF100  }
0x2c: {  	[spmem:s2] =	stream.indirect.scatter.add.f32 [tilespmem:s14], [sflag:$0x6], $0x30, s29, s18, $0xb8;
	[tilespmem:$0xDB10] =	vst v63  }
0x2d: {  	_ =	swait.ge [sflag:s20], $0xF00  }
0x2e: {  	[sflag:s20] =	ssyncset.done $0x0  }
0x2f: {  	s29 =	simm.s32 $0xA0;
	[sflag:s20] =	ssyncadd.s32 $0xFFFFF100  }
0x30: {  	[spmem:s2] =	stream.indirect.scatter.add.f32 [tilespmem:s15], [sflag:$0x7], $0x30, s29, s18, $0xb8;
	[tilespmem:$0xDB10] =	vst v63  }
0x31: {  	_ =	swait.ge [sflag:s21], $0xF00  }
0x32: {  	[sflag:s21] =	ssyncset.done $0x0  }
0x33: {  	s29 =	simm.s32 $0xF0;
	[sflag:s21] =	ssyncadd.s32 $0xFFFFF100  }
0x34: {  	[spmem:s2] =	stream.indirect.scatter.add.f32 [tilespmem:s16], [sflag:$0x8], $0x30, s29, s18, $0xb8;
	[tilespmem:$0xDB10] =	vst v63  }
0x35: {  	_ =	swait.ge [sflag:s22], $0xF00  }
0x36: {  	[sflag:s22] =	ssyncset.done $0x0  }
0x37: {  	[sflag:s22] =	ssyncadd.s32 $0xFFFFF100  }
0x38: {  	_ =	swait.ge [sflag:s23], $0xF00  }
0x39: {  	[sflag:s23] =	ssyncset.done $0x0  }
0x3a: {  	[sflag:s23] =	ssyncadd.s32 $0xFFFFF100  }
0x3b: {  	_ =	swait.ge [sflag:s24], $0xF00  }
0x3c: {  	[sflag:s24] =	ssyncset.done $0x0  }
0x3d: {  	[sflag:s24] =	ssyncadd.s32 $0xFFFFF100  }
0x3e: {  	s31 =	simm.s32 $0xA00;
	_ =	swait.ge [sflag:s25], $0xF00  }
0x3f: {  	s30 =	sadd.s32 $0x780, s10;
	s29 =	simm.s32 $0x500;
	[sflag:s25] =	ssyncset.done $0x0  }
.LBB2_2:
0x40: {  	p0 =	sne.s32 s31, $0x9600;
	s0 =	sadd.s32 $0xFFFFFA60, s30;
	[sflag:s25] =	ssyncadd.s32 $0xFFFFF100  }
0x41: {  	[tilespmem:s13], [sflag:$0x1] =	stream.linear.gather [hbm4b:s0+s3], $0xF00, $0x38;
	[tilespmem:$0xDB10] =	vst v63  }
0x42: {  	s1 =	smov.u32 s31;
	s31 =	sadd.s32 $0x500, s31;
	s0 =	sadd.s32 $0xFFFFFC40, s30  }
0x43: {  	[tilespmem:s14], [sflag:$0x2] =	stream.linear.gather [hbm4b:s0+s3], $0xF00, $0x38;
	[tilespmem:$0xDB10] =	vst v63  }
0x44: {  	s0 =	sadd.s32 $0xFFFFFE20, s30  }
0x45: {  	[tilespmem:s15], [sflag:$0x3] =	stream.linear.gather [hbm4b:s0+s3], $0xF00, $0x38;
	[tilespmem:$0xDB10] =	vst v63  }
0x46: {  	_ = 	snop  }
0x47: {  	[tilespmem:s16], [sflag:$0x4] =	stream.linear.gather [hbm4b:s30+s3], $0xF00, $0x38;
	[tilespmem:$0xDB10] =	vst v63  }
0x48: {  	_ =	swait.ge [sflag:s17], $0xF00  }
0x49: {  	[sflag:s17] =	ssyncset.done $0x0  }
0x4a: {  	s0 =	sshra.s32 s29, $0x2;
	s29 =	smov.u32 s1;
	[sflag:s17] =	ssyncadd.s32 $0xFFFFF100  }
0x4b: {  	[spmem:s2] =	stream.indirect.scatter.add.f32 [tilespmem:s13], [sflag:$0x5], $0x30, s0, s18, $0xb8;
	[tilespmem:$0xDB10] =	vst v63  }
0x4c: {  	_ =	swait.ge [sflag:s19], $0xF00  }
0x4d: {  	[sflag:s19] =	ssyncset.done $0x0  }
0x4e: {  	s1 =	sadd.s32 $0x50, s0;
	[sflag:s19] =	ssyncadd.s32 $0xFFFFF100  }
0x4f: {  	[spmem:s2] =	stream.indirect.scatter.add.f32 [tilespmem:s14], [sflag:$0x6], $0x30, s1, s18, $0xb8;
	[tilespmem:$0xDB10] =	vst v63  }
0x50: {  	_ =	swait.ge [sflag:s20], $0xF00  }
0x51: {  	[sflag:s20] =	ssyncset.done $0x0  }
0x52: {  	s1 =	sadd.s32 $0xA0, s0;
	[sflag:s20] =	ssyncadd.s32 $0xFFFFF100  }
0x53: {  	[spmem:s2] =	stream.indirect.scatter.add.f32 [tilespmem:s15], [sflag:$0x7], $0x30, s1, s18, $0xb8;
	[tilespmem:$0xDB10] =	vst v63  }
0x54: {  	_ =	swait.ge [sflag:s21], $0xF00  }
0x55: {  	[sflag:s21] =	ssyncset.done $0x0  }
0x56: {  	s0 =	sadd.s32 $0xF0, s0;
	[sflag:s21] =	ssyncadd.s32 $0xFFFFF100  }
0x57: {  	[spmem:s2] =	stream.indirect.scatter.add.f32 [tilespmem:s16], [sflag:$0x8], $0x30, s0, s18, $0xb8;
	[tilespmem:$0xDB10] =	vst v63  }
0x58: {  	_ =	swait.ge [sflag:s22], $0xF00  }
0x59: {  	[sflag:s22] =	ssyncset.done $0x0  }
0x5a: {  	[sflag:s22] =	ssyncadd.s32 $0xFFFFF100  }
0x5b: {  	_ =	swait.ge [sflag:s23], $0xF00  }
0x5c: {  	[sflag:s23] =	ssyncset.done $0x0  }
0x5d: {  	[sflag:s23] =	ssyncadd.s32 $0xFFFFF100  }
.Ltmp0:
0x5e: {  	_ =	swait.ge [sflag:s24], $0xF00;
	(pc) =	sbr.rel @p0 .LBB2_2-.Ltmp0, $4  }
0x5f: {  	[sflag:s24] =	ssyncset.done $0x0  }
0x60: {  	[sflag:s24] =	ssyncadd.s32 $0xFFFFF100  }
0x61: {  	_ =	swait.ge [sflag:s25], $0xF00  }
0x62: {  	s30 =	sadd.s32 $0x780, s30;
	[sflag:s25] =	ssyncset.done $0x0  }
0x63: {  	s0 =	sadd.s32 $0xFFFFFA60, s30;
	[sflag:s25] =	ssyncadd.s32 $0xFFFFF100  }
0x64: {  	[tilespmem:s13], [sflag:$0x1] =	stream.linear.gather [hbm4b:s0+s3], $0xF00, $0x38;
	[tilespmem:$0xDB10] =	vst v63  }
0x65: {  	s31 =	sadd.s32 $0xFFFFFC40, s30  }
0x66: {  	[tilespmem:s14], [sflag:$0x2] =	stream.linear.gather [hbm4b:s31+s3], $0xF00, $0x38;
	[tilespmem:$0xDB10] =	vst v63  }
0x67: {  	s1 =	sadd.s32 $0xFFFFFE20, s30  }
0x68: {  	[tilespmem:s15], [sflag:$0x3] =	stream.linear.gather [hbm4b:s1+s3], $0xF00, $0x38;
	[tilespmem:$0xDB10] =	vst v63  }
0x69: {  	_ = 	snop  }
0x6a: {  	[tilespmem:s16], [sflag:$0x4] =	stream.linear.gather [hbm4b:s30+s3], $0xF00, $0x38;
	[tilespmem:$0xDB10] =	vst v63  }
0x6b: {  	_ =	swait.ge [sflag:s17], $0xF00  }
0x6c: {  	[sflag:s17] =	ssyncset.done $0x0  }
0x6d: {  	s30 =	sshra.s32 s29, $0x2;
	[sflag:s17] =	ssyncadd.s32 $0xFFFFF100  }
0x6e: {  	[spmem:s2] =	stream.indirect.scatter.add.f32 [tilespmem:s13], [sflag:$0x5], $0x30, s30, s18, $0xb8;
	[tilespmem:$0xDB10] =	vst v63  }
0x6f: {  	_ =	swait.ge [sflag:s19], $0xF00  }
0x70: {  	[sflag:s19] =	ssyncset.done $0x0  }
0x71: {  	s1 =	sadd.s32 $0x50, s30;
	[sflag:s19] =	ssyncadd.s32 $0xFFFFF100  }
0x72: {  	[spmem:s2] =	stream.indirect.scatter.add.f32 [tilespmem:s14], [sflag:$0x6], $0x30, s1, s18, $0xb8;
	[tilespmem:$0xDB10] =	vst v63  }
0x73: {  	_ =	swait.ge [sflag:s20], $0xF00  }
0x74: {  	[sflag:s20] =	ssyncset.done $0x0  }
0x75: {  	s31 =	sadd.s32 $0xA0, s30;
	[sflag:s20] =	ssyncadd.s32 $0xFFFFF100  }
0x76: {  	[spmem:s2] =	stream.indirect.scatter.add.f32 [tilespmem:s15], [sflag:$0x7], $0x30, s31, s18, $0xb8;
	[tilespmem:$0xDB10] =	vst v63  }
0x77: {  	_ =	swait.ge [sflag:s21], $0xF00  }
0x78: {  	[sflag:s21] =	ssyncset.done $0x0  }
0x79: {  	s0 =	sadd.s32 $0xF0, s30;
	[sflag:s21] =	ssyncadd.s32 $0xFFFFF100  }
0x7a: {  	[spmem:s2] =	stream.indirect.scatter.add.f32 [tilespmem:s16], [sflag:$0x8], $0x30, s0, s18, $0xb8;
	[tilespmem:$0xDB10] =	vst v63  }
0x7b: {  	_ =	swait.ge [sflag:s22], $0xF00  }
0x7c: {  	[sflag:s22] =	ssyncset.done $0x0  }
0x7d: {  	[sflag:s22] =	ssyncadd.s32 $0xFFFFF100  }
0x7e: {  	_ =	swait.ge [sflag:s23], $0xF00  }
0x7f: {  	[sflag:s23] =	ssyncset.done $0x0  }
0x80: {  	[sflag:s23] =	ssyncadd.s32 $0xFFFFF100  }
0x81: {  	_ =	swait.ge [sflag:s24], $0xF00  }
0x82: {  	[sflag:s24] =	ssyncset.done $0x0  }
0x83: {  	[sflag:s24] =	ssyncadd.s32 $0xFFFFF100  }
0x84: {  	_ =	swait.ge [sflag:s25], $0xF00  }
0x85: {  	[sflag:s25] =	ssyncset.done $0x0  }
0x86: {  	[sflag:s25] =	ssyncadd.s32 $0xFFFFF100  }
0x87: {  	[tilespmem:s13], [sflag:$0x1] =	stream.linear.gather [hbm4b:s7+s3], $0xF00, $0x38;
	[tilespmem:$0xDB10] =	vst v63  }
0x88: {  	_ =	swait.ge [sflag:s17], $0xF00  }
0x89: {  	[sflag:s17] =	ssyncset.done $0x0  }
0x8a: {  	[sflag:s17] =	ssyncadd.s32 $0xFFFFF100  }
0x8b: {  	[spmem:s2] =	stream.indirect.scatter.add.f32 [tilespmem:s13], [sflag:$0x9], $0x30, s26, s18, $0xb8;
	[tilespmem:$0xDB10] =	vst v63  }
0x8c: {  	_ =	swait.ge [sflag:s12], $0xF00  }
0x8d: {  	s28 =	sadd.s32 $0x1, s28;
	[sflag:s12] =	ssyncset.done $0x0  }
0x8e: {  	p0 =	sne.s32 s28, s9;
	[sflag:s12] =	ssyncadd.s32 $0xFFFFF100  }
.Ltmp1:
0x8f: {  	[bflag:$0x0] =	sbarrier.arrive $0xFFFF;
	(pc) =	sbr.rel @p0 .LBB2_1-.Ltmp1, $4  }
0x90: {  	[hbm:s8], [sflag:s5] =	dma.local [spmem:s11], $0xF00  }
0x91: {  	_ =	swait.ge [sflag:s12], $0xF00  }
0x92: {  	[sflag:s12] =	ssyncset.done $0x0  }
0x93: {  	[sflag:s12] =	ssyncadd.s32 $0xFFFFF100  }
0x94: {  	_ =	sfence.sel $0x180000  }
0x95: {  	[bflag:$0x0] =	sbarrier.arrive $0xFFFF  }
0x96: {  	_ =	strace $0x9000004A  }
0x97: {  	s0 =	stileid.u32;
	[bflag:$0x2] =	sbarrier.arrive $0xFFFF  }
0x98: {  	p0 =	sne.s32 s0, $0x0;
	s0 =	rddreg [dreg:$0x3]  }
0x99: {  	s0 =	sadd.s32 @!p0 $0x100000, s0  }
0x9a: {  	[sflag:s0] =	ssyncadd.tile.s32 @!p0 $0x1;
	_ =	shalt  }
.Lfunc_end2:
_tile_overlayer_lowered:
.L_overlay_start_2:
0x9b: {  	(tag) =	ssettag $0x2  }
0x9c: {  	s0 =	rddreg [dreg:$0x0];
	s2 =	stileid.u32  }
0x9d: {  	s1 =	rddreg [dreg:$0x1];
	p0 =	sne.s32 s2, $0x0  }
0x9e: {  	s3 =	rddreg [dreg:$0x2];
	[bflag:$0x3] =	sbarrier.arrive $0xFFFF;
	s2 =	simm.s32 @!p0 $0x1C09  }
0x9f: {  	[timem:s3], [sflag:s2] =	dma.local @!p0 [hbm:s0], s1  }
0xa0: {  	s0 =	simm.s32 @!p0 $0x9  }
0xa1: {  	_ =	swait.ge @!p0 [sflag:s0], s1  }
0xa2: {  	s1 =	ssub.s32 @!p0 $0x0, s1;
	[sflag:s0] =	ssyncset.done @!p0 $0x0  }
0xa3: {  	[sflag:s0] =	ssyncadd.s32 @!p0 s1  }
0xa4: {  	[bflag:$0x3] =	sbarrier.arrive $0xFFFF  }
0xa5: {  	_ =	shalt  }

</sc_bundles>
